<compile_context>
chip_gen: v7x
topology: tpu7x:2x2x1
jax: 0.10.2.dev20260603
libtpu: 0.0.44.dev20260713+nightly
codegen_flags: <defaults>
</compile_context>

<pallas_src>
import functools

import jax
import jax.numpy as jnp
from jax import lax
from jax.experimental import pallas as pl
from jax.experimental.pallas import tpu as pltpu
from jax.experimental.pallas import tpu_sc as plsc

B = 16
N = 4096
S = 1024
K = 32
R2 = 0.2 ** 2
CIN = 35
CPAD = 48
SBLK = 256
MBLK = 128

_INTERPRET = False



def _fps_body(x_ref, out_ref):
    xs = x_ref[:, 0, :]
    ys = x_ref[:, 1, :]
    zs = x_ref[:, 2, :]
    iota = lax.broadcasted_iota(jnp.int32, (B, N), 1)
    iota_s = lax.broadcasted_iota(jnp.int32, (B, 3, S), 2)

    def body(i, carry):
        distance, far, nxc = carry
        sel = iota == far
        cx = jnp.sum(jnp.where(sel, xs, 0.0), axis=1, keepdims=True)
        cy = jnp.sum(jnp.where(sel, ys, 0.0), axis=1, keepdims=True)
        cz = jnp.sum(jnp.where(sel, zs, 0.0), axis=1, keepdims=True)
        cvals = jnp.concatenate([cx, cy, cz], axis=1)[:, :, None]
        nxc = jnp.where(iota_s == i, cvals, nxc)
        dx = xs - cx
        dy = ys - cy
        dz = zs - cz
        dist = (dx * dx + dz * dz) + dy * dy
        distance = jnp.minimum(distance, dist)
        m = jnp.max(distance, axis=1, keepdims=True)
        far_new = jnp.min(
            jnp.where(distance == m, iota, N), axis=1, keepdims=True)
        return distance, far_new, nxc

    distance0 = jnp.full((B, N), 1e10, dtype=jnp.float32)
    far0 = jnp.zeros((B, 1), dtype=jnp.int32)
    nxc0 = jnp.zeros((B, 3, S), dtype=jnp.float32)
    _, _, nxc = lax.fori_loop(0, S, body, (distance0, far0, nxc0))
    out_ref[...] = nxc


def _fps(xt):
    return pl.pallas_call(
        _fps_body,
        out_shape=jax.ShapeDtypeStruct((B, 3, S), jnp.float32),
        interpret=_INTERPRET,
    )(xt)



def _bq_body(x_ref, nx_ref, idx_ref):
    cb = pl.program_id(1)
    xr = x_ref[0]
    cc = nx_ref[0, :, pl.ds(cb * SBLK, SBLK)]
    xr2 = xr * xr
    p_norm = (xr2[0:1] + xr2[1:2]) + xr2[2:3]
    cc2 = cc * cc
    c_norm = (cc2[0:1] + cc2[1:2]) + cc2[2:3]
    dots = jnp.dot(cc.T, xr, preferred_element_type=jnp.float32)
    sqr = c_norm.T + p_norm - 2.0 * dots

    iota = lax.broadcasted_iota(jnp.int32, (SBLK, N), 1)
    cur = jnp.where(sqr <= R2, iota, N)
    col0 = jnp.min(cur, axis=1, keepdims=True)
    cur = jnp.where(cur == col0, N, cur)
    cols = [col0]
    for _ in range(K - 1):
        m = jnp.min(cur, axis=1, keepdims=True)
        cur = jnp.where(cur == m, N, cur)
        cols.append(jnp.where(m == N, col0, m))
    idx_ref[0] = jnp.concatenate(cols, axis=1)


def _ballquery(xt, nx):
    return pl.pallas_call(
        _bq_body,
        grid=(B, S // SBLK),
        in_specs=[
            pl.BlockSpec((1, 3, N), lambda b, cb: (b, 0, 0)),
            pl.BlockSpec((1, 3, S), lambda b, cb: (b, 0, 0)),
        ],
        out_specs=pl.BlockSpec((1, SBLK, K), lambda b, cb: (b, cb, 0)),
        out_shape=jax.ShapeDtypeStruct((B, S, K), jnp.int32),
        interpret=_INTERPRET,
    )(xt, nx)



_NW = 32
_CHUNK = 1024
_ROWS = B * S * K


def _sc_gather(table, idxf):
    mesh = plsc.VectorSubcoreMesh(core_axis_name="c", subcore_axis_name="s")
    rows_per_w = _ROWS // _NW

    @functools.partial(
        pl.kernel,
        mesh=mesh,
        out_type=jax.ShapeDtypeStruct((_ROWS, CPAD), jnp.float32),
        scratch_types=[
            pltpu.VMEM((_CHUNK,), jnp.int32),
            pltpu.VMEM((_CHUNK, CPAD), jnp.float32),
            pltpu.SemaphoreType.DMA,
        ],
        compiler_params=pltpu.CompilerParams(use_tc_tiling_on_sc=False),
    )
    def k(table_hbm, idx_hbm, out_hbm, idx_v, rows_v, sem):
        wid = lax.axis_index("s") * 2 + lax.axis_index("c")
        base = wid * rows_per_w
        for c in range(rows_per_w // _CHUNK):
            off = base + c * _CHUNK
            pltpu.sync_copy(idx_hbm.at[pl.ds(off, _CHUNK)], idx_v)
            pltpu.async_copy(table_hbm.at[idx_v], rows_v, sem).wait()
            pltpu.sync_copy(rows_v, out_hbm.at[pl.ds(off, _CHUNK)])

    return k(table, idxf)



def _mlp_body(g_ref, nx_ref, w1_ref, w2_ref, w3_ref,
              b1_ref, b2_ref, b3_ref, out_ref):
    cb = pl.program_id(1)
    x = g_ref[...]
    w1 = w1_ref[...]
    cc = nx_ref[0, :, pl.ds(cb * MBLK, MBLK)]
    shift = jnp.dot(cc.T, w1[0:3], preferred_element_type=jnp.float32)
    h = jnp.dot(x, w1, preferred_element_type=jnp.float32) + b1_ref[...]
    h = h.reshape(MBLK, K, 32) - shift[:, None, :]
    h = jnp.maximum(h, 0.0).reshape(MBLK * K, 32)
    h = jnp.dot(h, w2_ref[...], preferred_element_type=jnp.float32) + b2_ref[...]
    h = jnp.maximum(h, 0.0)
    h = jnp.dot(h, w3_ref[...], preferred_element_type=jnp.float32) + b3_ref[...]
    h = jnp.maximum(h, 0.0)
    out_ref[0] = jnp.max(h.reshape(MBLK, K, 64), axis=1)


def _mlp(g, nx, w1p, w2, w3, b1, b2, b3):
    nblk = S // MBLK
    return pl.pallas_call(
        _mlp_body,
        grid=(B, nblk),
        in_specs=[
            pl.BlockSpec((MBLK * K, CPAD), lambda b, cb: (b * nblk + cb, 0)),
            pl.BlockSpec((1, 3, S), lambda b, cb: (b, 0, 0)),
            pl.BlockSpec((CPAD, 32), lambda b, cb: (0, 0)),
            pl.BlockSpec((32, 32), lambda b, cb: (0, 0)),
            pl.BlockSpec((32, 64), lambda b, cb: (0, 0)),
            pl.BlockSpec((1, 32), lambda b, cb: (0, 0)),
            pl.BlockSpec((1, 32), lambda b, cb: (0, 0)),
            pl.BlockSpec((1, 64), lambda b, cb: (0, 0)),
        ],
        out_specs=pl.BlockSpec((1, MBLK, 64), lambda b, cb: (b, cb, 0)),
        out_shape=jax.ShapeDtypeStruct((B, S, 64), jnp.float32),
        interpret=_INTERPRET,
    )(g, nx, w1p, w2, w3, b1, b2, b3)



def kernel(xyz, points, W1, b1, W2, b2, W3, b3):
    xt = jnp.transpose(xyz, (0, 2, 1))
    nx = _fps(xt)
    idx = _ballquery(xt, nx)

    pad = jnp.zeros((B, N, CPAD - CIN), dtype=jnp.float32)
    table = jnp.concatenate([xyz, points, pad], axis=-1).reshape(B * N, CPAD)
    idxf = (idx + (jnp.arange(B, dtype=jnp.int32) * N)[:, None, None])
    idxf = idxf.reshape(_ROWS)
    g = _sc_gather(table, idxf)

    w1p = jnp.concatenate(
        [W1, jnp.zeros((CPAD - CIN, 32), dtype=jnp.float32)], axis=0)
    out = _mlp(g, nx, w1p, W2, W3,
               b1.reshape(1, 32), b2.reshape(1, 32), b3.reshape(1, 64))
    new_xyz = jnp.transpose(nx, (0, 2, 1))
    return (new_xyz, out)

# --- scband reference (transcript-rebuilt; emitter-appended) ---
"""Pipeline reference for scband-pointnet-sa-24378234372448 (READ-ONLY COPY).

The authoritative reference and input builder live on the scoring server;
editing this copy changes nothing except your own understanding.
"""

import jax, jax.numpy as jnp
import numpy as np

NPOINT = 1024
RADIUS = 0.2
NSAMPLE = 32


def index_points(pts, idx):
    B = pts.shape[0]
    batch = jnp.arange(B).reshape((B,) + (1,) * (idx.ndim - 1))
    return pts[batch, idx]


def farthest_point_sample(xyz, npoint):
    B, N, _ = xyz.shape

    def body(i, state):
        centroids, distance, farthest = state
        centroids = centroids.at[:, i].set(farthest)
        centroid = xyz[jnp.arange(B), farthest][:, None, :]
        dist = jnp.sum((xyz - centroid) ** 2, axis=-1)
        distance = jnp.minimum(distance, dist)
        farthest = jnp.argmax(distance, axis=-1).astype(jnp.int32)
        return (centroids, distance, farthest)

    centroids = jnp.zeros((B, npoint), dtype=jnp.int32)
    distance = jnp.full((B, N), 1e10, dtype=jnp.float32)
    farthest = jnp.zeros((B,), dtype=jnp.int32)
    centroids, _, _ = jax.lax.fori_loop(0, npoint, body, (centroids, distance, farthest))
    return centroids


def query_ball_point(radius, nsample, xyz, new_xyz):
    B, N, _ = xyz.shape
    S = new_xyz.shape[1]
    sqr = (jnp.sum(new_xyz ** 2, axis=-1)[:, :, None]
           + jnp.sum(xyz ** 2, axis=-1)[:, None, :]
           - 2.0 * jnp.einsum('bsd,bnd->bsn', new_xyz, xyz))
    idx_full = jnp.broadcast_to(jnp.arange(N, dtype=jnp.int32), (B, S, N))
    idx_full = jnp.where(sqr > radius ** 2, N, idx_full)
    idx_sorted = jnp.sort(idx_full, axis=-1)[:, :, :nsample]
    group_first = idx_sorted[:, :, :1]
    idx = jnp.where(idx_sorted == N, group_first, idx_sorted)
    idx = jnp.clip(idx, 0, N - 1)
    return idx


def setup_inputs(seed: int = 0):
    key = jax.random.key(seed)
    ks = jax.random.split(key, 8)
    xyz = jax.random.uniform(ks[0], (16, 4096, 3), dtype=jnp.float32)
    points = jax.random.normal(ks[1], (16, 4096, 32), dtype=jnp.float32)
    c_in = 3 + 32
    W1 = jax.random.normal(ks[2], (c_in, 32), dtype=jnp.float32) * 0.1
    b1 = jnp.zeros((32,), dtype=jnp.float32)
    W2 = jax.random.normal(ks[3], (32, 32), dtype=jnp.float32) * 0.1
    b2 = jnp.zeros((32,), dtype=jnp.float32)
    W3 = jax.random.normal(ks[4], (32, 64), dtype=jnp.float32) * 0.1
    b3 = jnp.zeros((64,), dtype=jnp.float32)
    return {"xyz": xyz, "points": points, "W1": W1, "b1": b1, "W2": W2, "b2": b2, "W3": W3, "b3": b3}


def reference(xyz, points, W1, b1, W2, b2, W3, b3):
    # sample_and_group
    fps_idx = farthest_point_sample(xyz, NPOINT)
    new_xyz = index_points(xyz, fps_idx)
    idx = query_ball_point(RADIUS, NSAMPLE, xyz, new_xyz)
    grouped_xyz = index_points(xyz, idx) - new_xyz[:, :, None, :]
    grouped_points = index_points(points, idx)
    new_points = jnp.concatenate([grouped_xyz, grouped_points], axis=-1)  # use_xyz=True
    # mlp stack of 1x1 Conv2d == pointwise dense + relu (bn=False)
    for (W, b) in ((W1, b1), (W2, b2), (W3, b3)):
        new_points = jax.nn.relu(new_points @ W + b)
    new_points = jnp.max(new_points, axis=2, keepdims=True)
    return (new_xyz, jnp.squeeze(new_points, axis=2))

if __name__ == "__main__":
    import jax
    _d = setup_inputs()
    print(jax.jit(kernel)(*tuple(_d.values())))

</pallas_src>

<mosaic_0001>
#map = affine_map<(d0, d1) -> (0, 0)>
#map1 = affine_map<(d0, d1) -> (0)>
module attributes {stable_mosaic.version = 14 : i64} {
  func.func @k(%arg0: i32, %arg1: i32, %arg2: memref<65536x48xf32, #tpu.memory_space<hbm>>, %arg3: memref<524288xi32, #tpu.memory_space<hbm>>, %arg4: memref<524288x48xf32, #tpu.memory_space<hbm>>, %arg5: memref<1024xi32, #tpu.memory_space<vmem>>, %arg6: memref<1024x48xf32, #tpu.memory_space<vmem>>, %arg7: memref<!tpu.dma_semaphore, #tpu.memory_space<semaphore_mem>>) attributes {dimension_semantics = [#tpu.dimension_semantics<core_parallel>, #tpu.dimension_semantics<subcore_parallel>], iteration_bounds = array<i64: 2, 16>, scalar_prefetch = 0 : i64, scratch_operands = 3 : i64, tpu.core_type = #tpu.core_type<sc_vector_subcore>, window_params = [{transform_indices = #map}, {transform_indices = #map1}, {transform_indices = #map}]} {
    %mul3A = arith.constant 2 : i32
    %mul3A_0 = arith.muli %arg1, %mul3A : i32
    %add3A = arith.addi %mul3A_0, %arg0 : i32
    %mul3A_1 = arith.constant 16384 : i32
    %mul3A_2 = arith.muli %add3A, %mul3A_1 : i32
    %add3A_3 = arith.constant 0 : i32
    %add3A_4 = arith.addi %mul3A_2, %add3A_3 : i32
    "tpu.region"() ({
      %run_scoped3A = tpu.sem_alloc : memref<!tpu.dma_semaphore, #tpu.memory_space<semaphore_mem>>
      %dma_start3A_129 = tpu.memref_slice %arg3[%add3A_4] : memref<524288xi32, #tpu.memory_space<hbm>> -> memref<1024xi32, #tpu.memory_space<hbm>>
      %dma_start3A_130 = tpu.memref_slice %arg3[%add3A_4] : memref<524288xi32, #tpu.memory_space<hbm>> -> memref<1024xi32, #tpu.memory_space<hbm>>
      tpu.enqueue_dma source(%dma_start3A_130 : memref<1024xi32, #tpu.memory_space<hbm>>) target(%arg5 : memref<1024xi32, #tpu.memory_space<vmem>>) target_semaphore(%run_scoped3A : memref<!tpu.dma_semaphore, #tpu.memory_space<semaphore_mem>>)
      %dma_wait3A_131 = tpu.memref_slice %arg3[%add3A_4] : memref<524288xi32, #tpu.memory_space<hbm>> -> memref<1024xi32, #tpu.memory_space<hbm>>
      %dma_wait3A_132 = tpu.memref_slice %arg3[%add3A_4] : memref<524288xi32, #tpu.memory_space<hbm>> -> memref<1024xi32, #tpu.memory_space<hbm>>
      tpu.wait_dma2 semaphore(%run_scoped3A : memref<!tpu.dma_semaphore, #tpu.memory_space<semaphore_mem>>) src(%dma_wait3A_132 : memref<1024xi32, #tpu.memory_space<hbm>>) dst(%arg5 : memref<1024xi32, #tpu.memory_space<vmem>>)
      tpu.yield
    }) : () -> ()
    %dma_start3A = arith.constant 0 : i32
    %dma_start3A_5 = arith.constant 0 : i32
    %dma_start3A_6 = tpu.memref_slice %arg2[%dma_start3A, %dma_start3A_5] : memref<65536x48xf32, #tpu.memory_space<hbm>> -> memref<65536x48xf32, #tpu.memory_space<hbm>>
    tpu.enqueue_indirect_dma source(%dma_start3A_6 : memref<65536x48xf32, #tpu.memory_space<hbm>>) target(%arg6 : memref<1024x48xf32, #tpu.memory_space<vmem>>) offsets(%arg5 : memref<1024xi32, #tpu.memory_space<vmem>>) semaphore(%arg7 : memref<!tpu.dma_semaphore, #tpu.memory_space<semaphore_mem>>)
    %dma_wait3A = arith.constant 0 : i32
    %dma_wait3A_7 = arith.constant 0 : i32
    %dma_wait3A_8 = tpu.memref_slice %arg2[%dma_wait3A, %dma_wait3A_7] : memref<65536x48xf32, #tpu.memory_space<hbm>> -> memref<65536x48xf32, #tpu.memory_space<hbm>>
    tpu.wait_indirect_dma semaphore(%arg7 : memref<!tpu.dma_semaphore, #tpu.memory_space<semaphore_mem>>) src(%dma_wait3A_8 : memref<65536x48xf32, #tpu.memory_space<hbm>>) dst(%arg6 : memref<1024x48xf32, #tpu.memory_space<vmem>>)
    "tpu.region"() ({
      %run_scoped3A = tpu.sem_alloc : memref<!tpu.dma_semaphore, #tpu.memory_space<semaphore_mem>>
      %dma_start3A_129 = arith.constant 0 : i32
      %dma_start3A_130 = tpu.memref_slice %arg4[%add3A_4, %dma_start3A_129] : memref<524288x48xf32, #tpu.memory_space<hbm>> -> memref<1024x48xf32, #tpu.memory_space<hbm>>
      %dma_start3A_131 = arith.constant 0 : i32
      %dma_start3A_132 = tpu.memref_slice %arg4[%add3A_4, %dma_start3A_131] : memref<524288x48xf32, #tpu.memory_space<hbm>> -> memref<1024x48xf32, #tpu.memory_space<hbm>>
      tpu.enqueue_dma source(%arg6 : memref<1024x48xf32, #tpu.memory_space<vmem>>) target(%dma_start3A_132 : memref<1024x48xf32, #tpu.memory_space<hbm>>) target_semaphore(%run_scoped3A : memref<!tpu.dma_semaphore, #tpu.memory_space<semaphore_mem>>)
      %dma_wait3A_133 = arith.constant 0 : i32
      %dma_wait3A_134 = tpu.memref_slice %arg4[%add3A_4, %dma_wait3A_133] : memref<524288x48xf32, #tpu.memory_space<hbm>> -> memref<1024x48xf32, #tpu.memory_space<hbm>>
      %dma_wait3A_135 = arith.constant 0 : i32
      %dma_wait3A_136 = tpu.memref_slice %arg4[%add3A_4, %dma_wait3A_135] : memref<524288x48xf32, #tpu.memory_space<hbm>> -> memref<1024x48xf32, #tpu.memory_space<hbm>>
      tpu.wait_dma2 semaphore(%run_scoped3A : memref<!tpu.dma_semaphore, #tpu.memory_space<semaphore_mem>>) src(%arg6 : memref<1024x48xf32, #tpu.memory_space<vmem>>) dst(%dma_wait3A_136 : memref<1024x48xf32, #tpu.memory_space<hbm>>)
      tpu.yield
    }) : () -> ()
    %add3A_9 = arith.constant 1024 : i32
    %add3A_10 = arith.addi %mul3A_2, %add3A_9 : i32
    "tpu.region"() ({
      %run_scoped3A = tpu.sem_alloc : memref<!tpu.dma_semaphore, #tpu.memory_space<semaphore_mem>>
      %dma_start3A_129 = tpu.memref_slice %arg3[%add3A_10] : memref<524288xi32, #tpu.memory_space<hbm>> -> memref<1024xi32, #tpu.memory_space<hbm>>
      %dma_start3A_130 = tpu.memref_slice %arg3[%add3A_10] : memref<524288xi32, #tpu.memory_space<hbm>> -> memref<1024xi32, #tpu.memory_space<hbm>>
      tpu.enqueue_dma source(%dma_start3A_130 : memref<1024xi32, #tpu.memory_space<hbm>>) target(%arg5 : memref<1024xi32, #tpu.memory_space<vmem>>) target_semaphore(%run_scoped3A : memref<!tpu.dma_semaphore, #tpu.memory_space<semaphore_mem>>)
      %dma_wait3A_131 = tpu.memref_slice %arg3[%add3A_10] : memref<524288xi32, #tpu.memory_space<hbm>> -> memref<1024xi32, #tpu.memory_space<hbm>>
      %dma_wait3A_132 = tpu.memref_slice %arg3[%add3A_10] : memref<524288xi32, #tpu.memory_space<hbm>> -> memref<1024xi32, #tpu.memory_space<hbm>>
      tpu.wait_dma2 semaphore(%run_scoped3A : memref<!tpu.dma_semaphore, #tpu.memory_space<semaphore_mem>>) src(%dma_wait3A_132 : memref<1024xi32, #tpu.memory_space<hbm>>) dst(%arg5 : memref<1024xi32, #tpu.memory_space<vmem>>)
      tpu.yield
    }) : () -> ()
    %dma_start3A_11 = arith.constant 0 : i32
    %dma_start3A_12 = arith.constant 0 : i32
    %dma_start3A_13 = tpu.memref_slice %arg2[%dma_start3A_11, %dma_start3A_12] : memref<65536x48xf32, #tpu.memory_space<hbm>> -> memref<65536x48xf32, #tpu.memory_space<hbm>>
    tpu.enqueue_indirect_dma source(%dma_start3A_13 : memref<65536x48xf32, #tpu.memory_space<hbm>>) target(%arg6 : memref<1024x48xf32, #tpu.memory_space<vmem>>) offsets(%arg5 : memref<1024xi32, #tpu.memory_space<vmem>>) semaphore(%arg7 : memref<!tpu.dma_semaphore, #tpu.memory_space<semaphore_mem>>)
    %dma_wait3A_14 = arith.constant 0 : i32
    %dma_wait3A_15 = arith.constant 0 : i32
    %dma_wait3A_16 = tpu.memref_slice %arg2[%dma_wait3A_14, %dma_wait3A_15] : memref<65536x48xf32, #tpu.memory_space<hbm>> -> memref<65536x48xf32, #tpu.memory_space<hbm>>
    tpu.wait_indirect_dma semaphore(%arg7 : memref<!tpu.dma_semaphore, #tpu.memory_space<semaphore_mem>>) src(%dma_wait3A_16 : memref<65536x48xf32, #tpu.memory_space<hbm>>) dst(%arg6 : memref<1024x48xf32, #tpu.memory_space<vmem>>)
    "tpu.region"() ({
      %run_scoped3A = tpu.sem_alloc : memref<!tpu.dma_semaphore, #tpu.memory_space<semaphore_mem>>
      %dma_start3A_129 = arith.constant 0 : i32
      %dma_start3A_130 = tpu.memref_slice %arg4[%add3A_10, %dma_start3A_129] : memref<524288x48xf32, #tpu.memory_space<hbm>> -> memref<1024x48xf32, #tpu.memory_space<hbm>>
      %dma_start3A_131 = arith.constant 0 : i32
      %dma_start3A_132 = tpu.memref_slice %arg4[%add3A_10, %dma_start3A_131] : memref<524288x48xf32, #tpu.memory_space<hbm>> -> memref<1024x48xf32, #tpu.memory_space<hbm>>
      tpu.enqueue_dma source(%arg6 : memref<1024x48xf32, #tpu.memory_space<vmem>>) target(%dma_start3A_132 : memref<1024x48xf32, #tpu.memory_space<hbm>>) target_semaphore(%run_scoped3A : memref<!tpu.dma_semaphore, #tpu.memory_space<semaphore_mem>>)
      %dma_wait3A_133 = arith.constant 0 : i32
      %dma_wait3A_134 = tpu.memref_slice %arg4[%add3A_10, %dma_wait3A_133] : memref<524288x48xf32, #tpu.memory_space<hbm>> -> memref<1024x48xf32, #tpu.memory_space<hbm>>
      %dma_wait3A_135 = arith.constant 0 : i32
      %dma_wait3A_136 = tpu.memref_slice %arg4[%add3A_10, %dma_wait3A_135] : memref<524288x48xf32, #tpu.memory_space<hbm>> -> memref<1024x48xf32, #tpu.memory_space<hbm>>
      tpu.wait_dma2 semaphore(%run_scoped3A : memref<!tpu.dma_semaphore, #tpu.memory_space<semaphore_mem>>) src(%arg6 : memref<1024x48xf32, #tpu.memory_space<vmem>>) dst(%dma_wait3A_136 : memref<1024x48xf32, #tpu.memory_space<hbm>>)
      tpu.yield
    }) : () -> ()
    %add3A_17 = arith.constant 2048 : i32
    %add3A_18 = arith.addi %mul3A_2, %add3A_17 : i32
    "tpu.region"() ({
      %run_scoped3A = tpu.sem_alloc : memref<!tpu.dma_semaphore, #tpu.memory_space<semaphore_mem>>
      %dma_start3A_129 = tpu.memref_slice %arg3[%add3A_18] : memref<524288xi32, #tpu.memory_space<hbm>> -> memref<1024xi32, #tpu.memory_space<hbm>>
      %dma_start3A_130 = tpu.memref_slice %arg3[%add3A_18] : memref<524288xi32, #tpu.memory_space<hbm>> -> memref<1024xi32, #tpu.memory_space<hbm>>
      tpu.enqueue_dma source(%dma_start3A_130 : memref<1024xi32, #tpu.memory_space<hbm>>) target(%arg5 : memref<1024xi32, #tpu.memory_space<vmem>>) target_semaphore(%run_scoped3A : memref<!tpu.dma_semaphore, #tpu.memory_space<semaphore_mem>>)
      %dma_wait3A_131 = tpu.memref_slice %arg3[%add3A_18] : memref<524288xi32, #tpu.memory_space<hbm>> -> memref<1024xi32, #tpu.memory_space<hbm>>
      %dma_wait3A_132 = tpu.memref_slice %arg3[%add3A_18] : memref<524288xi32, #tpu.memory_space<hbm>> -> memref<1024xi32, #tpu.memory_space<hbm>>
      tpu.wait_dma2 semaphore(%run_scoped3A : memref<!tpu.dma_semaphore, #tpu.memory_space<semaphore_mem>>) src(%dma_wait3A_132 : memref<1024xi32, #tpu.memory_space<hbm>>) dst(%arg5 : memref<1024xi32, #tpu.memory_space<vmem>>)
      tpu.yield
    }) : () -> ()
    %dma_start3A_19 = arith.constant 0 : i32
    %dma_start3A_20 = arith.constant 0 : i32
    %dma_start3A_21 = tpu.memref_slice %arg2[%dma_start3A_19, %dma_start3A_20] : memref<65536x48xf32, #tpu.memory_space<hbm>> -> memref<65536x48xf32, #tpu.memory_space<hbm>>
    tpu.enqueue_indirect_dma source(%dma_start3A_21 : memref<65536x48xf32, #tpu.memory_space<hbm>>) target(%arg6 : memref<1024x48xf32, #tpu.memory_space<vmem>>) offsets(%arg5 : memref<1024xi32, #tpu.memory_space<vmem>>) semaphore(%arg7 : memref<!tpu.dma_semaphore, #tpu.memory_space<semaphore_mem>>)
    %dma_wait3A_22 = arith.constant 0 : i32
    %dma_wait3A_23 = arith.constant 0 : i32
    %dma_wait3A_24 = tpu.memref_slice %arg2[%dma_wait3A_22, %dma_wait3A_23] : memref<65536x48xf32, #tpu.memory_space<hbm>> -> memref<65536x48xf32, #tpu.memory_space<hbm>>
    tpu.wait_indirect_dma semaphore(%arg7 : memref<!tpu.dma_semaphore, #tpu.memory_space<semaphore_mem>>) src(%dma_wait3A_24 : memref<65536x48xf32, #tpu.memory_space<hbm>>) dst(%arg6 : memref<1024x48xf32, #tpu.memory_space<vmem>>)
    "tpu.region"() ({
      %run_scoped3A = tpu.sem_alloc : memref<!tpu.dma_semaphore, #tpu.memory_space<semaphore_mem>>
      %dma_start3A_129 = arith.constant 0 : i32
      %dma_start3A_130 = tpu.memref_slice %arg4[%add3A_18, %dma_start3A_129] : memref<524288x48xf32, #tpu.memory_space<hbm>> -> memref<1024x48xf32, #tpu.memory_space<hbm>>
      %dma_start3A_131 = arith.constant 0 : i32
      %dma_start3A_132 = tpu.memref_slice %arg4[%add3A_18, %dma_start3A_131] : memref<524288x48xf32, #tpu.memory_space<hbm>> -> memref<1024x48xf32, #tpu.memory_space<hbm>>
      tpu.enqueue_dma source(%arg6 : memref<1024x48xf32, #tpu.memory_space<vmem>>) target(%dma_start3A_132 : memref<1024x48xf32, #tpu.memory_space<hbm>>) target_semaphore(%run_scoped3A : memref<!tpu.dma_semaphore, #tpu.memory_space<semaphore_mem>>)
      %dma_wait3A_133 = arith.constant 0 : i32
      %dma_wait3A_134 = tpu.memref_slice %arg4[%add3A_18, %dma_wait3A_133] : memref<524288x48xf32, #tpu.memory_space<hbm>> -> memref<1024x48xf32, #tpu.memory_space<hbm>>
      %dma_wait3A_135 = arith.constant 0 : i32
      %dma_wait3A_136 = tpu.memref_slice %arg4[%add3A_18, %dma_wait3A_135] : memref<524288x48xf32, #tpu.memory_space<hbm>> -> memref<1024x48xf32, #tpu.memory_space<hbm>>
      tpu.wait_dma2 semaphore(%run_scoped3A : memref<!tpu.dma_semaphore, #tpu.memory_space<semaphore_mem>>) src(%arg6 : memref<1024x48xf32, #tpu.memory_space<vmem>>) dst(%dma_wait3A_136 : memref<1024x48xf32, #tpu.memory_space<hbm>>)
      tpu.yield
    }) : () -> ()
    %add3A_25 = arith.constant 3072 : i32
    %add3A_26 = arith.addi %mul3A_2, %add3A_25 : i32
    "tpu.region"() ({
      %run_scoped3A = tpu.sem_alloc : memref<!tpu.dma_semaphore, #tpu.memory_space<semaphore_mem>>
      %dma_start3A_129 = tpu.memref_slice %arg3[%add3A_26] : memref<524288xi32, #tpu.memory_space<hbm>> -> memref<1024xi32, #tpu.memory_space<hbm>>
      %dma_start3A_130 = tpu.memref_slice %arg3[%add3A_26] : memref<524288xi32, #tpu.memory_space<hbm>> -> memref<1024xi32, #tpu.memory_space<hbm>>
      tpu.enqueue_dma source(%dma_start3A_130 : memref<1024xi32, #tpu.memory_space<hbm>>) target(%arg5 : memref<1024xi32, #tpu.memory_space<vmem>>) target_semaphore(%run_scoped3A : memref<!tpu.dma_semaphore, #tpu.memory_space<semaphore_mem>>)
      %dma_wait3A_131 = tpu.memref_slice %arg3[%add3A_26] : memref<524288xi32, #tpu.memory_space<hbm>> -> memref<1024xi32, #tpu.memory_space<hbm>>
      %dma_wait3A_132 = tpu.memref_slice %arg3[%add3A_26] : memref<524288xi32, #tpu.memory_space<hbm>> -> memref<1024xi32, #tpu.memory_space<hbm>>
      tpu.wait_dma2 semaphore(%run_scoped3A : memref<!tpu.dma_semaphore, #tpu.memory_space<semaphore_mem>>) src(%dma_wait3A_132 : memref<1024xi32, #tpu.memory_space<hbm>>) dst(%arg5 : memref<1024xi32, #tpu.memory_space<vmem>>)
      tpu.yield
    }) : () -> ()
    %dma_start3A_27 = arith.constant 0 : i32
    %dma_start3A_28 = arith.constant 0 : i32
    %dma_start3A_29 = tpu.memref_slice %arg2[%dma_start3A_27, %dma_start3A_28] : memref<65536x48xf32, #tpu.memory_space<hbm>> -> memref<65536x48xf32, #tpu.memory_space<hbm>>
    tpu.enqueue_indirect_dma source(%dma_start3A_29 : memref<65536x48xf32, #tpu.memory_space<hbm>>) target(%arg6 : memref<1024x48xf32, #tpu.memory_space<vmem>>) offsets(%arg5 : memref<1024xi32, #tpu.memory_space<vmem>>) semaphore(%arg7 : memref<!tpu.dma_semaphore, #tpu.memory_space<semaphore_mem>>)
    %dma_wait3A_30 = arith.constant 0 : i32
    %dma_wait3A_31 = arith.constant 0 : i32
    %dma_wait3A_32 = tpu.memref_slice %arg2[%dma_wait3A_30, %dma_wait3A_31] : memref<65536x48xf32, #tpu.memory_space<hbm>> -> memref<65536x48xf32, #tpu.memory_space<hbm>>
    tpu.wait_indirect_dma semaphore(%arg7 : memref<!tpu.dma_semaphore, #tpu.memory_space<semaphore_mem>>) src(%dma_wait3A_32 : memref<65536x48xf32, #tpu.memory_space<hbm>>) dst(%arg6 : memref<1024x48xf32, #tpu.memory_space<vmem>>)
    "tpu.region"() ({
      %run_scoped3A = tpu.sem_alloc : memref<!tpu.dma_semaphore, #tpu.memory_space<semaphore_mem>>
      %dma_start3A_129 = arith.constant 0 : i32
      %dma_start3A_130 = tpu.memref_slice %arg4[%add3A_26, %dma_start3A_129] : memref<524288x48xf32, #tpu.memory_space<hbm>> -> memref<1024x48xf32, #tpu.memory_space<hbm>>
      %dma_start3A_131 = arith.constant 0 : i32
      %dma_start3A_132 = tpu.memref_slice %arg4[%add3A_26, %dma_start3A_131] : memref<524288x48xf32, #tpu.memory_space<hbm>> -> memref<1024x48xf32, #tpu.memory_space<hbm>>
      tpu.enqueue_dma source(%arg6 : memref<1024x48xf32, #tpu.memory_space<vmem>>) target(%dma_start3A_132 : memref<1024x48xf32, #tpu.memory_space<hbm>>) target_semaphore(%run_scoped3A : memref<!tpu.dma_semaphore, #tpu.memory_space<semaphore_mem>>)
      %dma_wait3A_133 = arith.constant 0 : i32
      %dma_wait3A_134 = tpu.memref_slice %arg4[%add3A_26, %dma_wait3A_133] : memref<524288x48xf32, #tpu.memory_space<hbm>> -> memref<1024x48xf32, #tpu.memory_space<hbm>>
      %dma_wait3A_135 = arith.constant 0 : i32
      %dma_wait3A_136 = tpu.memref_slice %arg4[%add3A_26, %dma_wait3A_135] : memref<524288x48xf32, #tpu.memory_space<hbm>> -> memref<1024x48xf32, #tpu.memory_space<hbm>>
      tpu.wait_dma2 semaphore(%run_scoped3A : memref<!tpu.dma_semaphore, #tpu.memory_space<semaphore_mem>>) src(%arg6 : memref<1024x48xf32, #tpu.memory_space<vmem>>) dst(%dma_wait3A_136 : memref<1024x48xf32, #tpu.memory_space<hbm>>)
      tpu.yield
    }) : () -> ()
    %add3A_33 = arith.constant 4096 : i32
    %add3A_34 = arith.addi %mul3A_2, %add3A_33 : i32
    "tpu.region"() ({
      %run_scoped3A = tpu.sem_alloc : memref<!tpu.dma_semaphore, #tpu.memory_space<semaphore_mem>>
      %dma_start3A_129 = tpu.memref_slice %arg3[%add3A_34] : memref<524288xi32, #tpu.memory_space<hbm>> -> memref<1024xi32, #tpu.memory_space<hbm>>
      %dma_start3A_130 = tpu.memref_slice %arg3[%add3A_34] : memref<524288xi32, #tpu.memory_space<hbm>> -> memref<1024xi32, #tpu.memory_space<hbm>>
      tpu.enqueue_dma source(%dma_start3A_130 : memref<1024xi32, #tpu.memory_space<hbm>>) target(%arg5 : memref<1024xi32, #tpu.memory_space<vmem>>) target_semaphore(%run_scoped3A : memref<!tpu.dma_semaphore, #tpu.memory_space<semaphore_mem>>)
      %dma_wait3A_131 = tpu.memref_slice %arg3[%add3A_34] : memref<524288xi32, #tpu.memory_space<hbm>> -> memref<1024xi32, #tpu.memory_space<hbm>>
      %dma_wait3A_132 = tpu.memref_slice %arg3[%add3A_34] : memref<524288xi32, #tpu.memory_space<hbm>> -> memref<1024xi32, #tpu.memory_space<hbm>>
      tpu.wait_dma2 semaphore(%run_scoped3A : memref<!tpu.dma_semaphore, #tpu.memory_space<semaphore_mem>>) src(%dma_wait3A_132 : memref<1024xi32, #tpu.memory_space<hbm>>) dst(%arg5 : memref<1024xi32, #tpu.memory_space<vmem>>)
      tpu.yield
    }) : () -> ()
    %dma_start3A_35 = arith.constant 0 : i32
    %dma_start3A_36 = arith.constant 0 : i32
    %dma_start3A_37 = tpu.memref_slice %arg2[%dma_start3A_35, %dma_start3A_36] : memref<65536x48xf32, #tpu.memory_space<hbm>> -> memref<65536x48xf32, #tpu.memory_space<hbm>>
    tpu.enqueue_indirect_dma source(%dma_start3A_37 : memref<65536x48xf32, #tpu.memory_space<hbm>>) target(%arg6 : memref<1024x48xf32, #tpu.memory_space<vmem>>) offsets(%arg5 : memref<1024xi32, #tpu.memory_space<vmem>>) semaphore(%arg7 : memref<!tpu.dma_semaphore, #tpu.memory_space<semaphore_mem>>)
    %dma_wait3A_38 = arith.constant 0 : i32
    %dma_wait3A_39 = arith.constant 0 : i32
    %dma_wait3A_40 = tpu.memref_slice %arg2[%dma_wait3A_38, %dma_wait3A_39] : memref<65536x48xf32, #tpu.memory_space<hbm>> -> memref<65536x48xf32, #tpu.memory_space<hbm>>
    tpu.wait_indirect_dma semaphore(%arg7 : memref<!tpu.dma_semaphore, #tpu.memory_space<semaphore_mem>>) src(%dma_wait3A_40 : memref<65536x48xf32, #tpu.memory_space<hbm>>) dst(%arg6 : memref<1024x48xf32, #tpu.memory_space<vmem>>)
    "tpu.region"() ({
      %run_scoped3A = tpu.sem_alloc : memref<!tpu.dma_semaphore, #tpu.memory_space<semaphore_mem>>
      %dma_start3A_129 = arith.constant 0 : i32
      %dma_start3A_130 = tpu.memref_slice %arg4[%add3A_34, %dma_start3A_129] : memref<524288x48xf32, #tpu.memory_space<hbm>> -> memref<1024x48xf32, #tpu.memory_space<hbm>>
      %dma_start3A_131 = arith.constant 0 : i32
      %dma_start3A_132 = tpu.memref_slice %arg4[%add3A_34, %dma_start3A_131] : memref<524288x48xf32, #tpu.memory_space<hbm>> -> memref<1024x48xf32, #tpu.memory_space<hbm>>
      tpu.enqueue_dma source(%arg6 : memref<1024x48xf32, #tpu.memory_space<vmem>>) target(%dma_start3A_132 : memref<1024x48xf32, #tpu.memory_space<hbm>>) target_semaphore(%run_scoped3A : memref<!tpu.dma_semaphore, #tpu.memory_space<semaphore_mem>>)
      %dma_wait3A_133 = arith.constant 0 : i32
      %dma_wait3A_134 = tpu.memref_slice %arg4[%add3A_34, %dma_wait3A_133] : memref<524288x48xf32, #tpu.memory_space<hbm>> -> memref<1024x48xf32, #tpu.memory_space<hbm>>
      %dma_wait3A_135 = arith.constant 0 : i32
      %dma_wait3A_136 = tpu.memref_slice %arg4[%add3A_34, %dma_wait3A_135] : memref<524288x48xf32, #tpu.memory_space<hbm>> -> memref<1024x48xf32, #tpu.memory_space<hbm>>
      tpu.wait_dma2 semaphore(%run_scoped3A : memref<!tpu.dma_semaphore, #tpu.memory_space<semaphore_mem>>) src(%arg6 : memref<1024x48xf32, #tpu.memory_space<vmem>>) dst(%dma_wait3A_136 : memref<1024x48xf32, #tpu.memory_space<hbm>>)
      tpu.yield
    }) : () -> ()
    %add3A_41 = arith.constant 5120 : i32
    %add3A_42 = arith.addi %mul3A_2, %add3A_41 : i32
    "tpu.region"() ({
      %run_scoped3A = tpu.sem_alloc : memref<!tpu.dma_semaphore, #tpu.memory_space<semaphore_mem>>
      %dma_start3A_129 = tpu.memref_slice %arg3[%add3A_42] : memref<524288xi32, #tpu.memory_space<hbm>> -> memref<1024xi32, #tpu.memory_space<hbm>>
      %dma_start3A_130 = tpu.memref_slice %arg3[%add3A_42] : memref<524288xi32, #tpu.memory_space<hbm>> -> memref<1024xi32, #tpu.memory_space<hbm>>
      tpu.enqueue_dma source(%dma_start3A_130 : memref<1024xi32, #tpu.memory_space<hbm>>) target(%arg5 : memref<1024xi32, #tpu.memory_space<vmem>>) target_semaphore(%run_scoped3A : memref<!tpu.dma_semaphore, #tpu.memory_space<semaphore_mem>>)
      %dma_wait3A_131 = tpu.memref_slice %arg3[%add3A_42] : memref<524288xi32, #tpu.memory_space<hbm>> -> memref<1024xi32, #tpu.memory_space<hbm>>
      %dma_wait3A_132 = tpu.memref_slice %arg3[%add3A_42] : memref<524288xi32, #tpu.memory_space<hbm>> -> memref<1024xi32, #tpu.memory_space<hbm>>
      tpu.wait_dma2 semaphore(%run_scoped3A : memref<!tpu.dma_semaphore, #tpu.memory_space<semaphore_mem>>) src(%dma_wait3A_132 : memref<1024xi32, #tpu.memory_space<hbm>>) dst(%arg5 : memref<1024xi32, #tpu.memory_space<vmem>>)
      tpu.yield
    }) : () -> ()
    %dma_start3A_43 = arith.constant 0 : i32
    %dma_start3A_44 = arith.constant 0 : i32
    %dma_start3A_45 = tpu.memref_slice %arg2[%dma_start3A_43, %dma_start3A_44] : memref<65536x48xf32, #tpu.memory_space<hbm>> -> memref<65536x48xf32, #tpu.memory_space<hbm>>
    tpu.enqueue_indirect_dma source(%dma_start3A_45 : memref<65536x48xf32, #tpu.memory_space<hbm>>) target(%arg6 : memref<1024x48xf32, #tpu.memory_space<vmem>>) offsets(%arg5 : memref<1024xi32, #tpu.memory_space<vmem>>) semaphore(%arg7 : memref<!tpu.dma_semaphore, #tpu.memory_space<semaphore_mem>>)
    %dma_wait3A_46 = arith.constant 0 : i32
    %dma_wait3A_47 = arith.constant 0 : i32
    %dma_wait3A_48 = tpu.memref_slice %arg2[%dma_wait3A_46, %dma_wait3A_47] : memref<65536x48xf32, #tpu.memory_space<hbm>> -> memref<65536x48xf32, #tpu.memory_space<hbm>>
    tpu.wait_indirect_dma semaphore(%arg7 : memref<!tpu.dma_semaphore, #tpu.memory_space<semaphore_mem>>) src(%dma_wait3A_48 : memref<65536x48xf32, #tpu.memory_space<hbm>>) dst(%arg6 : memref<1024x48xf32, #tpu.memory_space<vmem>>)
    "tpu.region"() ({
      %run_scoped3A = tpu.sem_alloc : memref<!tpu.dma_semaphore, #tpu.memory_space<semaphore_mem>>
      %dma_start3A_129 = arith.constant 0 : i32
      %dma_start3A_130 = tpu.memref_slice %arg4[%add3A_42, %dma_start3A_129] : memref<524288x48xf32, #tpu.memory_space<hbm>> -> memref<1024x48xf32, #tpu.memory_space<hbm>>
      %dma_start3A_131 = arith.constant 0 : i32
      %dma_start3A_132 = tpu.memref_slice %arg4[%add3A_42, %dma_start3A_131] : memref<524288x48xf32, #tpu.memory_space<hbm>> -> memref<1024x48xf32, #tpu.memory_space<hbm>>
      tpu.enqueue_dma source(%arg6 : memref<1024x48xf32, #tpu.memory_space<vmem>>) target(%dma_start3A_132 : memref<1024x48xf32, #tpu.memory_space<hbm>>) target_semaphore(%run_scoped3A : memref<!tpu.dma_semaphore, #tpu.memory_space<semaphore_mem>>)
      %dma_wait3A_133 = arith.constant 0 : i32
      %dma_wait3A_134 = tpu.memref_slice %arg4[%add3A_42, %dma_wait3A_133] : memref<524288x48xf32, #tpu.memory_space<hbm>> -> memref<1024x48xf32, #tpu.memory_space<hbm>>
      %dma_wait3A_135 = arith.constant 0 : i32
      %dma_wait3A_136 = tpu.memref_slice %arg4[%add3A_42, %dma_wait3A_135] : memref<524288x48xf32, #tpu.memory_space<hbm>> -> memref<1024x48xf32, #tpu.memory_space<hbm>>
      tpu.wait_dma2 semaphore(%run_scoped3A : memref<!tpu.dma_semaphore, #tpu.memory_space<semaphore_mem>>) src(%arg6 : memref<1024x48xf32, #tpu.memory_space<vmem>>) dst(%dma_wait3A_136 : memref<1024x48xf32, #tpu.memory_space<hbm>>)
      tpu.yield
    }) : () -> ()
    %add3A_49 = arith.constant 6144 : i32
    %add3A_50 = arith.addi %mul3A_2, %add3A_49 : i32
    "tpu.region"() ({
      %run_scoped3A = tpu.sem_alloc : memref<!tpu.dma_semaphore, #tpu.memory_space<semaphore_mem>>
      %dma_start3A_129 = tpu.memref_slice %arg3[%add3A_50] : memref<524288xi32, #tpu.memory_space<hbm>> -> memref<1024xi32, #tpu.memory_space<hbm>>
      %dma_start3A_130 = tpu.memref_slice %arg3[%add3A_50] : memref<524288xi32, #tpu.memory_space<hbm>> -> memref<1024xi32, #tpu.memory_space<hbm>>
      tpu.enqueue_dma source(%dma_start3A_130 : memref<1024xi32, #tpu.memory_space<hbm>>) target(%arg5 : memref<1024xi32, #tpu.memory_space<vmem>>) target_semaphore(%run_scoped3A : memref<!tpu.dma_semaphore, #tpu.memory_space<semaphore_mem>>)
      %dma_wait3A_131 = tpu.memref_slice %arg3[%add3A_50] : memref<524288xi32, #tpu.memory_space<hbm>> -> memref<1024xi32, #tpu.memory_space<hbm>>
      %dma_wait3A_132 = tpu.memref_slice %arg3[%add3A_50] : memref<524288xi32, #tpu.memory_space<hbm>> -> memref<1024xi32, #tpu.memory_space<hbm>>
      tpu.wait_dma2 semaphore(%run_scoped3A : memref<!tpu.dma_semaphore, #tpu.memory_space<semaphore_mem>>) src(%dma_wait3A_132 : memref<1024xi32, #tpu.memory_space<hbm>>) dst(%arg5 : memref<1024xi32, #tpu.memory_space<vmem>>)
      tpu.yield
    }) : () -> ()
    %dma_start3A_51 = arith.constant 0 : i32
    %dma_start3A_52 = arith.constant 0 : i32
    %dma_start3A_53 = tpu.memref_slice %arg2[%dma_start3A_51, %dma_start3A_52] : memref<65536x48xf32, #tpu.memory_space<hbm>> -> memref<65536x48xf32, #tpu.memory_space<hbm>>
    tpu.enqueue_indirect_dma source(%dma_start3A_53 : memref<65536x48xf32, #tpu.memory_space<hbm>>) target(%arg6 : memref<1024x48xf32, #tpu.memory_space<vmem>>) offsets(%arg5 : memref<1024xi32, #tpu.memory_space<vmem>>) semaphore(%arg7 : memref<!tpu.dma_semaphore, #tpu.memory_space<semaphore_mem>>)
    %dma_wait3A_54 = arith.constant 0 : i32
    %dma_wait3A_55 = arith.constant 0 : i32
    %dma_wait3A_56 = tpu.memref_slice %arg2[%dma_wait3A_54, %dma_wait3A_55] : memref<65536x48xf32, #tpu.memory_space<hbm>> -> memref<65536x48xf32, #tpu.memory_space<hbm>>
    tpu.wait_indirect_dma semaphore(%arg7 : memref<!tpu.dma_semaphore, #tpu.memory_space<semaphore_mem>>) src(%dma_wait3A_56 : memref<65536x48xf32, #tpu.memory_space<hbm>>) dst(%arg6 : memref<1024x48xf32, #tpu.memory_space<vmem>>)
    "tpu.region"() ({
      %run_scoped3A = tpu.sem_alloc : memref<!tpu.dma_semaphore, #tpu.memory_space<semaphore_mem>>
      %dma_start3A_129 = arith.constant 0 : i32
      %dma_start3A_130 = tpu.memref_slice %arg4[%add3A_50, %dma_start3A_129] : memref<524288x48xf32, #tpu.memory_space<hbm>> -> memref<1024x48xf32, #tpu.memory_space<hbm>>
      %dma_start3A_131 = arith.constant 0 : i32
      %dma_start3A_132 = tpu.memref_slice %arg4[%add3A_50, %dma_start3A_131] : memref<524288x48xf32, #tpu.memory_space<hbm>> -> memref<1024x48xf32, #tpu.memory_space<hbm>>
      tpu.enqueue_dma source(%arg6 : memref<1024x48xf32, #tpu.memory_space<vmem>>) target(%dma_start3A_132 : memref<1024x48xf32, #tpu.memory_space<hbm>>) target_semaphore(%run_scoped3A : memref<!tpu.dma_semaphore, #tpu.memory_space<semaphore_mem>>)
      %dma_wait3A_133 = arith.constant 0 : i32
      %dma_wait3A_134 = tpu.memref_slice %arg4[%add3A_50, %dma_wait3A_133] : memref<524288x48xf32, #tpu.memory_space<hbm>> -> memref<1024x48xf32, #tpu.memory_space<hbm>>
      %dma_wait3A_135 = arith.constant 0 : i32
      %dma_wait3A_136 = tpu.memref_slice %arg4[%add3A_50, %dma_wait3A_135] : memref<524288x48xf32, #tpu.memory_space<hbm>> -> memref<1024x48xf32, #tpu.memory_space<hbm>>
      tpu.wait_dma2 semaphore(%run_scoped3A : memref<!tpu.dma_semaphore, #tpu.memory_space<semaphore_mem>>) src(%arg6 : memref<1024x48xf32, #tpu.memory_space<vmem>>) dst(%dma_wait3A_136 : memref<1024x48xf32, #tpu.memory_space<hbm>>)
      tpu.yield
    }) : () -> ()
    %add3A_57 = arith.constant 7168 : i32
    %add3A_58 = arith.addi %mul3A_2, %add3A_57 : i32
    "tpu.region"() ({
      %run_scoped3A = tpu.sem_alloc : memref<!tpu.dma_semaphore, #tpu.memory_space<semaphore_mem>>
      %dma_start3A_129 = tpu.memref_slice %arg3[%add3A_58] : memref<524288xi32, #tpu.memory_space<hbm>> -> memref<1024xi32, #tpu.memory_space<hbm>>
      %dma_start3A_130 = tpu.memref_slice %arg3[%add3A_58] : memref<524288xi32, #tpu.memory_space<hbm>> -> memref<1024xi32, #tpu.memory_space<hbm>>
      tpu.enqueue_dma source(%dma_start3A_130 : memref<1024xi32, #tpu.memory_space<hbm>>) target(%arg5 : memref<1024xi32, #tpu.memory_space<vmem>>) target_semaphore(%run_scoped3A : memref<!tpu.dma_semaphore, #tpu.memory_space<semaphore_mem>>)
      %dma_wait3A_131 = tpu.memref_slice %arg3[%add3A_58] : memref<524288xi32, #tpu.memory_space<hbm>> -> memref<1024xi32, #tpu.memory_space<hbm>>
      %dma_wait3A_132 = tpu.memref_slice %arg3[%add3A_58] : memref<524288xi32, #tpu.memory_space<hbm>> -> memref<1024xi32, #tpu.memory_space<hbm>>
      tpu.wait_dma2 semaphore(%run_scoped3A : memref<!tpu.dma_semaphore, #tpu.memory_space<semaphore_mem>>) src(%dma_wait3A_132 : memref<1024xi32, #tpu.memory_space<hbm>>) dst(%arg5 : memref<1024xi32, #tpu.memory_space<vmem>>)
      tpu.yield
    }) : () -> ()
    %dma_start3A_59 = arith.constant 0 : i32
    %dma_start3A_60 = arith.constant 0 : i32
    %dma_start3A_61 = tpu.memref_slice %arg2[%dma_start3A_59, %dma_start3A_60] : memref<65536x48xf32, #tpu.memory_space<hbm>> -> memref<65536x48xf32, #tpu.memory_space<hbm>>
    tpu.enqueue_indirect_dma source(%dma_start3A_61 : memref<65536x48xf32, #tpu.memory_space<hbm>>) target(%arg6 : memref<1024x48xf32, #tpu.memory_space<vmem>>) offsets(%arg5 : memref<1024xi32, #tpu.memory_space<vmem>>) semaphore(%arg7 : memref<!tpu.dma_semaphore, #tpu.memory_space<semaphore_mem>>)
    %dma_wait3A_62 = arith.constant 0 : i32
    %dma_wait3A_63 = arith.constant 0 : i32
    %dma_wait3A_64 = tpu.memref_slice %arg2[%dma_wait3A_62, %dma_wait3A_63] : memref<65536x48xf32, #tpu.memory_space<hbm>> -> memref<65536x48xf32, #tpu.memory_space<hbm>>
    tpu.wait_indirect_dma semaphore(%arg7 : memref<!tpu.dma_semaphore, #tpu.memory_space<semaphore_mem>>) src(%dma_wait3A_64 : memref<65536x48xf32, #tpu.memory_space<hbm>>) dst(%arg6 : memref<1024x48xf32, #tpu.memory_space<vmem>>)
    "tpu.region"() ({
      %run_scoped3A = tpu.sem_alloc : memref<!tpu.dma_semaphore, #tpu.memory_space<semaphore_mem>>
      %dma_start3A_129 = arith.constant 0 : i32
      %dma_start3A_130 = tpu.memref_slice %arg4[%add3A_58, %dma_start3A_129] : memref<524288x48xf32, #tpu.memory_space<hbm>> -> memref<1024x48xf32, #tpu.memory_space<hbm>>
      %dma_start3A_131 = arith.constant 0 : i32
      %dma_start3A_132 = tpu.memref_slice %arg4[%add3A_58, %dma_start3A_131] : memref<524288x48xf32, #tpu.memory_space<hbm>> -> memref<1024x48xf32, #tpu.memory_space<hbm>>
      tpu.enqueue_dma source(%arg6 : memref<1024x48xf32, #tpu.memory_space<vmem>>) target(%dma_start3A_132 : memref<1024x48xf32, #tpu.memory_space<hbm>>) target_semaphore(%run_scoped3A : memref<!tpu.dma_semaphore, #tpu.memory_space<semaphore_mem>>)
      %dma_wait3A_133 = arith.constant 0 : i32
      %dma_wait3A_134 = tpu.memref_slice %arg4[%add3A_58, %dma_wait3A_133] : memref<524288x48xf32, #tpu.memory_space<hbm>> -> memref<1024x48xf32, #tpu.memory_space<hbm>>
      %dma_wait3A_135 = arith.constant 0 : i32
      %dma_wait3A_136 = tpu.memref_slice %arg4[%add3A_58, %dma_wait3A_135] : memref<524288x48xf32, #tpu.memory_space<hbm>> -> memref<1024x48xf32, #tpu.memory_space<hbm>>
      tpu.wait_dma2 semaphore(%run_scoped3A : memref<!tpu.dma_semaphore, #tpu.memory_space<semaphore_mem>>) src(%arg6 : memref<1024x48xf32, #tpu.memory_space<vmem>>) dst(%dma_wait3A_136 : memref<1024x48xf32, #tpu.memory_space<hbm>>)
      tpu.yield
    }) : () -> ()
    %add3A_65 = arith.constant 8192 : i32
    %add3A_66 = arith.addi %mul3A_2, %add3A_65 : i32
    "tpu.region"() ({
      %run_scoped3A = tpu.sem_alloc : memref<!tpu.dma_semaphore, #tpu.memory_space<semaphore_mem>>
      %dma_start3A_129 = tpu.memref_slice %arg3[%add3A_66] : memref<524288xi32, #tpu.memory_space<hbm>> -> memref<1024xi32, #tpu.memory_space<hbm>>
      %dma_start3A_130 = tpu.memref_slice %arg3[%add3A_66] : memref<524288xi32, #tpu.memory_space<hbm>> -> memref<1024xi32, #tpu.memory_space<hbm>>
      tpu.enqueue_dma source(%dma_start3A_130 : memref<1024xi32, #tpu.memory_space<hbm>>) target(%arg5 : memref<1024xi32, #tpu.memory_space<vmem>>) target_semaphore(%run_scoped3A : memref<!tpu.dma_semaphore, #tpu.memory_space<semaphore_mem>>)
      %dma_wait3A_131 = tpu.memref_slice %arg3[%add3A_66] : memref<524288xi32, #tpu.memory_space<hbm>> -> memref<1024xi32, #tpu.memory_space<hbm>>
      %dma_wait3A_132 = tpu.memref_slice %arg3[%add3A_66] : memref<524288xi32, #tpu.memory_space<hbm>> -> memref<1024xi32, #tpu.memory_space<hbm>>
      tpu.wait_dma2 semaphore(%run_scoped3A : memref<!tpu.dma_semaphore, #tpu.memory_space<semaphore_mem>>) src(%dma_wait3A_132 : memref<1024xi32, #tpu.memory_space<hbm>>) dst(%arg5 : memref<1024xi32, #tpu.memory_space<vmem>>)
      tpu.yield
    }) : () -> ()
    %dma_start3A_67 = arith.constant 0 : i32
    %dma_start3A_68 = arith.constant 0 : i32
    %dma_start3A_69 = tpu.memref_slice %arg2[%dma_start3A_67, %dma_start3A_68] : memref<65536x48xf32, #tpu.memory_space<hbm>> -> memref<65536x48xf32, #tpu.memory_space<hbm>>
    tpu.enqueue_indirect_dma source(%dma_start3A_69 : memref<65536x48xf32, #tpu.memory_space<hbm>>) target(%arg6 : memref<1024x48xf32, #tpu.memory_space<vmem>>) offsets(%arg5 : memref<1024xi32, #tpu.memory_space<vmem>>) semaphore(%arg7 : memref<!tpu.dma_semaphore, #tpu.memory_space<semaphore_mem>>)
    %dma_wait3A_70 = arith.constant 0 : i32
    %dma_wait3A_71 = arith.constant 0 : i32
    %dma_wait3A_72 = tpu.memref_slice %arg2[%dma_wait3A_70, %dma_wait3A_71] : memref<65536x48xf32, #tpu.memory_space<hbm>> -> memref<65536x48xf32, #tpu.memory_space<hbm>>
    tpu.wait_indirect_dma semaphore(%arg7 : memref<!tpu.dma_semaphore, #tpu.memory_space<semaphore_mem>>) src(%dma_wait3A_72 : memref<65536x48xf32, #tpu.memory_space<hbm>>) dst(%arg6 : memref<1024x48xf32, #tpu.memory_space<vmem>>)
    "tpu.region"() ({
      %run_scoped3A = tpu.sem_alloc : memref<!tpu.dma_semaphore, #tpu.memory_space<semaphore_mem>>
      %dma_start3A_129 = arith.constant 0 : i32
      %dma_start3A_130 = tpu.memref_slice %arg4[%add3A_66, %dma_start3A_129] : memref<524288x48xf32, #tpu.memory_space<hbm>> -> memref<1024x48xf32, #tpu.memory_space<hbm>>
      %dma_start3A_131 = arith.constant 0 : i32
      %dma_start3A_132 = tpu.memref_slice %arg4[%add3A_66, %dma_start3A_131] : memref<524288x48xf32, #tpu.memory_space<hbm>> -> memref<1024x48xf32, #tpu.memory_space<hbm>>
      tpu.enqueue_dma source(%arg6 : memref<1024x48xf32, #tpu.memory_space<vmem>>) target(%dma_start3A_132 : memref<1024x48xf32, #tpu.memory_space<hbm>>) target_semaphore(%run_scoped3A : memref<!tpu.dma_semaphore, #tpu.memory_space<semaphore_mem>>)
      %dma_wait3A_133 = arith.constant 0 : i32
      %dma_wait3A_134 = tpu.memref_slice %arg4[%add3A_66, %dma_wait3A_133] : memref<524288x48xf32, #tpu.memory_space<hbm>> -> memref<1024x48xf32, #tpu.memory_space<hbm>>
      %dma_wait3A_135 = arith.constant 0 : i32
      %dma_wait3A_136 = tpu.memref_slice %arg4[%add3A_66, %dma_wait3A_135] : memref<524288x48xf32, #tpu.memory_space<hbm>> -> memref<1024x48xf32, #tpu.memory_space<hbm>>
      tpu.wait_dma2 semaphore(%run_scoped3A : memref<!tpu.dma_semaphore, #tpu.memory_space<semaphore_mem>>) src(%arg6 : memref<1024x48xf32, #tpu.memory_space<vmem>>) dst(%dma_wait3A_136 : memref<1024x48xf32, #tpu.memory_space<hbm>>)
      tpu.yield
    }) : () -> ()
    %add3A_73 = arith.constant 9216 : i32
    %add3A_74 = arith.addi %mul3A_2, %add3A_73 : i32
    "tpu.region"() ({
      %run_scoped3A = tpu.sem_alloc : memref<!tpu.dma_semaphore, #tpu.memory_space<semaphore_mem>>
      %dma_start3A_129 = tpu.memref_slice %arg3[%add3A_74] : memref<524288xi32, #tpu.memory_space<hbm>> -> memref<1024xi32, #tpu.memory_space<hbm>>
      %dma_start3A_130 = tpu.memref_slice %arg3[%add3A_74] : memref<524288xi32, #tpu.memory_space<hbm>> -> memref<1024xi32, #tpu.memory_space<hbm>>
      tpu.enqueue_dma source(%dma_start3A_130 : memref<1024xi32, #tpu.memory_space<hbm>>) target(%arg5 : memref<1024xi32, #tpu.memory_space<vmem>>) target_semaphore(%run_scoped3A : memref<!tpu.dma_semaphore, #tpu.memory_space<semaphore_mem>>)
      %dma_wait3A_131 = tpu.memref_slice %arg3[%add3A_74] : memref<524288xi32, #tpu.memory_space<hbm>> -> memref<1024xi32, #tpu.memory_space<hbm>>
      %dma_wait3A_132 = tpu.memref_slice %arg3[%add3A_74] : memref<524288xi32, #tpu.memory_space<hbm>> -> memref<1024xi32, #tpu.memory_space<hbm>>
      tpu.wait_dma2 semaphore(%run_scoped3A : memref<!tpu.dma_semaphore, #tpu.memory_space<semaphore_mem>>) src(%dma_wait3A_132 : memref<1024xi32, #tpu.memory_space<hbm>>) dst(%arg5 : memref<1024xi32, #tpu.memory_space<vmem>>)
      tpu.yield
    }) : () -> ()
    %dma_start3A_75 = arith.constant 0 : i32
    %dma_start3A_76 = arith.constant 0 : i32
    %dma_start3A_77 = tpu.memref_slice %arg2[%dma_start3A_75, %dma_start3A_76] : memref<65536x48xf32, #tpu.memory_space<hbm>> -> memref<65536x48xf32, #tpu.memory_space<hbm>>
    tpu.enqueue_indirect_dma source(%dma_start3A_77 : memref<65536x48xf32, #tpu.memory_space<hbm>>) target(%arg6 : memref<1024x48xf32, #tpu.memory_space<vmem>>) offsets(%arg5 : memref<1024xi32, #tpu.memory_space<vmem>>) semaphore(%arg7 : memref<!tpu.dma_semaphore, #tpu.memory_space<semaphore_mem>>)
    %dma_wait3A_78 = arith.constant 0 : i32
    %dma_wait3A_79 = arith.constant 0 : i32
    %dma_wait3A_80 = tpu.memref_slice %arg2[%dma_wait3A_78, %dma_wait3A_79] : memref<65536x48xf32, #tpu.memory_space<hbm>> -> memref<65536x48xf32, #tpu.memory_space<hbm>>
    tpu.wait_indirect_dma semaphore(%arg7 : memref<!tpu.dma_semaphore, #tpu.memory_space<semaphore_mem>>) src(%dma_wait3A_80 : memref<65536x48xf32, #tpu.memory_space<hbm>>) dst(%arg6 : memref<1024x48xf32, #tpu.memory_space<vmem>>)
    "tpu.region"() ({
      %run_scoped3A = tpu.sem_alloc : memref<!tpu.dma_semaphore, #tpu.memory_space<semaphore_mem>>
      %dma_start3A_129 = arith.constant 0 : i32
      %dma_start3A_130 = tpu.memref_slice %arg4[%add3A_74, %dma_start3A_129] : memref<524288x48xf32, #tpu.memory_space<hbm>> -> memref<1024x48xf32, #tpu.memory_space<hbm>>
      %dma_start3A_131 = arith.constant 0 : i32
      %dma_start3A_132 = tpu.memref_slice %arg4[%add3A_74, %dma_start3A_131] : memref<524288x48xf32, #tpu.memory_space<hbm>> -> memref<1024x48xf32, #tpu.memory_space<hbm>>
      tpu.enqueue_dma source(%arg6 : memref<1024x48xf32, #tpu.memory_space<vmem>>) target(%dma_start3A_132 : memref<1024x48xf32, #tpu.memory_space<hbm>>) target_semaphore(%run_scoped3A : memref<!tpu.dma_semaphore, #tpu.memory_space<semaphore_mem>>)
      %dma_wait3A_133 = arith.constant 0 : i32
      %dma_wait3A_134 = tpu.memref_slice %arg4[%add3A_74, %dma_wait3A_133] : memref<524288x48xf32, #tpu.memory_space<hbm>> -> memref<1024x48xf32, #tpu.memory_space<hbm>>
      %dma_wait3A_135 = arith.constant 0 : i32
      %dma_wait3A_136 = tpu.memref_slice %arg4[%add3A_74, %dma_wait3A_135] : memref<524288x48xf32, #tpu.memory_space<hbm>> -> memref<1024x48xf32, #tpu.memory_space<hbm>>
      tpu.wait_dma2 semaphore(%run_scoped3A : memref<!tpu.dma_semaphore, #tpu.memory_space<semaphore_mem>>) src(%arg6 : memref<1024x48xf32, #tpu.memory_space<vmem>>) dst(%dma_wait3A_136 : memref<1024x48xf32, #tpu.memory_space<hbm>>)
      tpu.yield
    }) : () -> ()
    %add3A_81 = arith.constant 10240 : i32
    %add3A_82 = arith.addi %mul3A_2, %add3A_81 : i32
    "tpu.region"() ({
      %run_scoped3A = tpu.sem_alloc : memref<!tpu.dma_semaphore, #tpu.memory_space<semaphore_mem>>
      %dma_start3A_129 = tpu.memref_slice %arg3[%add3A_82] : memref<524288xi32, #tpu.memory_space<hbm>> -> memref<1024xi32, #tpu.memory_space<hbm>>
      %dma_start3A_130 = tpu.memref_slice %arg3[%add3A_82] : memref<524288xi32, #tpu.memory_space<hbm>> -> memref<1024xi32, #tpu.memory_space<hbm>>
      tpu.enqueue_dma source(%dma_start3A_130 : memref<1024xi32, #tpu.memory_space<hbm>>) target(%arg5 : memref<1024xi32, #tpu.memory_space<vmem>>) target_semaphore(%run_scoped3A : memref<!tpu.dma_semaphore, #tpu.memory_space<semaphore_mem>>)
      %dma_wait3A_131 = tpu.memref_slice %arg3[%add3A_82] : memref<524288xi32, #tpu.memory_space<hbm>> -> memref<1024xi32, #tpu.memory_space<hbm>>
      %dma_wait3A_132 = tpu.memref_slice %arg3[%add3A_82] : memref<524288xi32, #tpu.memory_space<hbm>> -> memref<1024xi32, #tpu.memory_space<hbm>>
      tpu.wait_dma2 semaphore(%run_scoped3A : memref<!tpu.dma_semaphore, #tpu.memory_space<semaphore_mem>>) src(%dma_wait3A_132 : memref<1024xi32, #tpu.memory_space<hbm>>) dst(%arg5 : memref<1024xi32, #tpu.memory_space<vmem>>)
      tpu.yield
    }) : () -> ()
    %dma_start3A_83 = arith.constant 0 : i32
    %dma_start3A_84 = arith.constant 0 : i32
    %dma_start3A_85 = tpu.memref_slice %arg2[%dma_start3A_83, %dma_start3A_84] : memref<65536x48xf32, #tpu.memory_space<hbm>> -> memref<65536x48xf32, #tpu.memory_space<hbm>>
    tpu.enqueue_indirect_dma source(%dma_start3A_85 : memref<65536x48xf32, #tpu.memory_space<hbm>>) target(%arg6 : memref<1024x48xf32, #tpu.memory_space<vmem>>) offsets(%arg5 : memref<1024xi32, #tpu.memory_space<vmem>>) semaphore(%arg7 : memref<!tpu.dma_semaphore, #tpu.memory_space<semaphore_mem>>)
    %dma_wait3A_86 = arith.constant 0 : i32
    %dma_wait3A_87 = arith.constant 0 : i32
    %dma_wait3A_88 = tpu.memref_slice %arg2[%dma_wait3A_86, %dma_wait3A_87] : memref<65536x48xf32, #tpu.memory_space<hbm>> -> memref<65536x48xf32, #tpu.memory_space<hbm>>
    tpu.wait_indirect_dma semaphore(%arg7 : memref<!tpu.dma_semaphore, #tpu.memory_space<semaphore_mem>>) src(%dma_wait3A_88 : memref<65536x48xf32, #tpu.memory_space<hbm>>) dst(%arg6 : memref<1024x48xf32, #tpu.memory_space<vmem>>)
    "tpu.region"() ({
      %run_scoped3A = tpu.sem_alloc : memref<!tpu.dma_semaphore, #tpu.memory_space<semaphore_mem>>
      %dma_start3A_129 = arith.constant 0 : i32
      %dma_start3A_130 = tpu.memref_slice %arg4[%add3A_82, %dma_start3A_129] : memref<524288x48xf32, #tpu.memory_space<hbm>> -> memref<1024x48xf32, #tpu.memory_space<hbm>>
      %dma_start3A_131 = arith.constant 0 : i32
      %dma_start3A_132 = tpu.memref_slice %arg4[%add3A_82, %dma_start3A_131] : memref<524288x48xf32, #tpu.memory_space<hbm>> -> memref<1024x48xf32, #tpu.memory_space<hbm>>
      tpu.enqueue_dma source(%arg6 : memref<1024x48xf32, #tpu.memory_space<vmem>>) target(%dma_start3A_132 : memref<1024x48xf32, #tpu.memory_space<hbm>>) target_semaphore(%run_scoped3A : memref<!tpu.dma_semaphore, #tpu.memory_space<semaphore_mem>>)
      %dma_wait3A_133 = arith.constant 0 : i32
      %dma_wait3A_134 = tpu.memref_slice %arg4[%add3A_82, %dma_wait3A_133] : memref<524288x48xf32, #tpu.memory_space<hbm>> -> memref<1024x48xf32, #tpu.memory_space<hbm>>
      %dma_wait3A_135 = arith.constant 0 : i32
      %dma_wait3A_136 = tpu.memref_slice %arg4[%add3A_82, %dma_wait3A_135] : memref<524288x48xf32, #tpu.memory_space<hbm>> -> memref<1024x48xf32, #tpu.memory_space<hbm>>
      tpu.wait_dma2 semaphore(%run_scoped3A : memref<!tpu.dma_semaphore, #tpu.memory_space<semaphore_mem>>) src(%arg6 : memref<1024x48xf32, #tpu.memory_space<vmem>>) dst(%dma_wait3A_136 : memref<1024x48xf32, #tpu.memory_space<hbm>>)
      tpu.yield
    }) : () -> ()
    %add3A_89 = arith.constant 11264 : i32
    %add3A_90 = arith.addi %mul3A_2, %add3A_89 : i32
    "tpu.region"() ({
      %run_scoped3A = tpu.sem_alloc : memref<!tpu.dma_semaphore, #tpu.memory_space<semaphore_mem>>
      %dma_start3A_129 = tpu.memref_slice %arg3[%add3A_90] : memref<524288xi32, #tpu.memory_space<hbm>> -> memref<1024xi32, #tpu.memory_space<hbm>>
      %dma_start3A_130 = tpu.memref_slice %arg3[%add3A_90] : memref<524288xi32, #tpu.memory_space<hbm>> -> memref<1024xi32, #tpu.memory_space<hbm>>
      tpu.enqueue_dma source(%dma_start3A_130 : memref<1024xi32, #tpu.memory_space<hbm>>) target(%arg5 : memref<1024xi32, #tpu.memory_space<vmem>>) target_semaphore(%run_scoped3A : memref<!tpu.dma_semaphore, #tpu.memory_space<semaphore_mem>>)
      %dma_wait3A_131 = tpu.memref_slice %arg3[%add3A_90] : memref<524288xi32, #tpu.memory_space<hbm>> -> memref<1024xi32, #tpu.memory_space<hbm>>
      %dma_wait3A_132 = tpu.memref_slice %arg3[%add3A_90] : memref<524288xi32, #tpu.memory_space<hbm>> -> memref<1024xi32, #tpu.memory_space<hbm>>
      tpu.wait_dma2 semaphore(%run_scoped3A : memref<!tpu.dma_semaphore, #tpu.memory_space<semaphore_mem>>) src(%dma_wait3A_132 : memref<1024xi32, #tpu.memory_space<hbm>>) dst(%arg5 : memref<1024xi32, #tpu.memory_space<vmem>>)
      tpu.yield
    }) : () -> ()
    %dma_start3A_91 = arith.constant 0 : i32
    %dma_start3A_92 = arith.constant 0 : i32
    %dma_start3A_93 = tpu.memref_slice %arg2[%dma_start3A_91, %dma_start3A_92] : memref<65536x48xf32, #tpu.memory_space<hbm>> -> memref<65536x48xf32, #tpu.memory_space<hbm>>
    tpu.enqueue_indirect_dma source(%dma_start3A_93 : memref<65536x48xf32, #tpu.memory_space<hbm>>) target(%arg6 : memref<1024x48xf32, #tpu.memory_space<vmem>>) offsets(%arg5 : memref<1024xi32, #tpu.memory_space<vmem>>) semaphore(%arg7 : memref<!tpu.dma_semaphore, #tpu.memory_space<semaphore_mem>>)
    %dma_wait3A_94 = arith.constant 0 : i32
    %dma_wait3A_95 = arith.constant 0 : i32
    %dma_wait3A_96 = tpu.memref_slice %arg2[%dma_wait3A_94, %dma_wait3A_95] : memref<65536x48xf32, #tpu.memory_space<hbm>> -> memref<65536x48xf32, #tpu.memory_space<hbm>>
    tpu.wait_indirect_dma semaphore(%arg7 : memref<!tpu.dma_semaphore, #tpu.memory_space<semaphore_mem>>) src(%dma_wait3A_96 : memref<65536x48xf32, #tpu.memory_space<hbm>>) dst(%arg6 : memref<1024x48xf32, #tpu.memory_space<vmem>>)
    "tpu.region"() ({
      %run_scoped3A = tpu.sem_alloc : memref<!tpu.dma_semaphore, #tpu.memory_space<semaphore_mem>>
      %dma_start3A_129 = arith.constant 0 : i32
      %dma_start3A_130 = tpu.memref_slice %arg4[%add3A_90, %dma_start3A_129] : memref<524288x48xf32, #tpu.memory_space<hbm>> -> memref<1024x48xf32, #tpu.memory_space<hbm>>
      %dma_start3A_131 = arith.constant 0 : i32
      %dma_start3A_132 = tpu.memref_slice %arg4[%add3A_90, %dma_start3A_131] : memref<524288x48xf32, #tpu.memory_space<hbm>> -> memref<1024x48xf32, #tpu.memory_space<hbm>>
      tpu.enqueue_dma source(%arg6 : memref<1024x48xf32, #tpu.memory_space<vmem>>) target(%dma_start3A_132 : memref<1024x48xf32, #tpu.memory_space<hbm>>) target_semaphore(%run_scoped3A : memref<!tpu.dma_semaphore, #tpu.memory_space<semaphore_mem>>)
      %dma_wait3A_133 = arith.constant 0 : i32
      %dma_wait3A_134 = tpu.memref_slice %arg4[%add3A_90, %dma_wait3A_133] : memref<524288x48xf32, #tpu.memory_space<hbm>> -> memref<1024x48xf32, #tpu.memory_space<hbm>>
      %dma_wait3A_135 = arith.constant 0 : i32
      %dma_wait3A_136 = tpu.memref_slice %arg4[%add3A_90, %dma_wait3A_135] : memref<524288x48xf32, #tpu.memory_space<hbm>> -> memref<1024x48xf32, #tpu.memory_space<hbm>>
      tpu.wait_dma2 semaphore(%run_scoped3A : memref<!tpu.dma_semaphore, #tpu.memory_space<semaphore_mem>>) src(%arg6 : memref<1024x48xf32, #tpu.memory_space<vmem>>) dst(%dma_wait3A_136 : memref<1024x48xf32, #tpu.memory_space<hbm>>)
      tpu.yield
    }) : () -> ()
    %add3A_97 = arith.constant 12288 : i32
    %add3A_98 = arith.addi %mul3A_2, %add3A_97 : i32
    "tpu.region"() ({
      %run_scoped3A = tpu.sem_alloc : memref<!tpu.dma_semaphore, #tpu.memory_space<semaphore_mem>>
      %dma_start3A_129 = tpu.memref_slice %arg3[%add3A_98] : memref<524288xi32, #tpu.memory_space<hbm>> -> memref<1024xi32, #tpu.memory_space<hbm>>
      %dma_start3A_130 = tpu.memref_slice %arg3[%add3A_98] : memref<524288xi32, #tpu.memory_space<hbm>> -> memref<1024xi32, #tpu.memory_space<hbm>>
      tpu.enqueue_dma source(%dma_start3A_130 : memref<1024xi32, #tpu.memory_space<hbm>>) target(%arg5 : memref<1024xi32, #tpu.memory_space<vmem>>) target_semaphore(%run_scoped3A : memref<!tpu.dma_semaphore, #tpu.memory_space<semaphore_mem>>)
      %dma_wait3A_131 = tpu.memref_slice %arg3[%add3A_98] : memref<524288xi32, #tpu.memory_space<hbm>> -> memref<1024xi32, #tpu.memory_space<hbm>>
      %dma_wait3A_132 = tpu.memref_slice %arg3[%add3A_98] : memref<524288xi32, #tpu.memory_space<hbm>> -> memref<1024xi32, #tpu.memory_space<hbm>>
      tpu.wait_dma2 semaphore(%run_scoped3A : memref<!tpu.dma_semaphore, #tpu.memory_space<semaphore_mem>>) src(%dma_wait3A_132 : memref<1024xi32, #tpu.memory_space<hbm>>) dst(%arg5 : memref<1024xi32, #tpu.memory_space<vmem>>)
      tpu.yield
    }) : () -> ()
    %dma_start3A_99 = arith.constant 0 : i32
    %dma_start3A_100 = arith.constant 0 : i32
    %dma_start3A_101 = tpu.memref_slice %arg2[%dma_start3A_99, %dma_start3A_100] : memref<65536x48xf32, #tpu.memory_space<hbm>> -> memref<65536x48xf32, #tpu.memory_space<hbm>>
    tpu.enqueue_indirect_dma source(%dma_start3A_101 : memref<65536x48xf32, #tpu.memory_space<hbm>>) target(%arg6 : memref<1024x48xf32, #tpu.memory_space<vmem>>) offsets(%arg5 : memref<1024xi32, #tpu.memory_space<vmem>>) semaphore(%arg7 : memref<!tpu.dma_semaphore, #tpu.memory_space<semaphore_mem>>)
    %dma_wait3A_102 = arith.constant 0 : i32
    %dma_wait3A_103 = arith.constant 0 : i32
    %dma_wait3A_104 = tpu.memref_slice %arg2[%dma_wait3A_102, %dma_wait3A_103] : memref<65536x48xf32, #tpu.memory_space<hbm>> -> memref<65536x48xf32, #tpu.memory_space<hbm>>
    tpu.wait_indirect_dma semaphore(%arg7 : memref<!tpu.dma_semaphore, #tpu.memory_space<semaphore_mem>>) src(%dma_wait3A_104 : memref<65536x48xf32, #tpu.memory_space<hbm>>) dst(%arg6 : memref<1024x48xf32, #tpu.memory_space<vmem>>)
    "tpu.region"() ({
      %run_scoped3A = tpu.sem_alloc : memref<!tpu.dma_semaphore, #tpu.memory_space<semaphore_mem>>
      %dma_start3A_129 = arith.constant 0 : i32
      %dma_start3A_130 = tpu.memref_slice %arg4[%add3A_98, %dma_start3A_129] : memref<524288x48xf32, #tpu.memory_space<hbm>> -> memref<1024x48xf32, #tpu.memory_space<hbm>>
      %dma_start3A_131 = arith.constant 0 : i32
      %dma_start3A_132 = tpu.memref_slice %arg4[%add3A_98, %dma_start3A_131] : memref<524288x48xf32, #tpu.memory_space<hbm>> -> memref<1024x48xf32, #tpu.memory_space<hbm>>
      tpu.enqueue_dma source(%arg6 : memref<1024x48xf32, #tpu.memory_space<vmem>>) target(%dma_start3A_132 : memref<1024x48xf32, #tpu.memory_space<hbm>>) target_semaphore(%run_scoped3A : memref<!tpu.dma_semaphore, #tpu.memory_space<semaphore_mem>>)
      %dma_wait3A_133 = arith.constant 0 : i32
      %dma_wait3A_134 = tpu.memref_slice %arg4[%add3A_98, %dma_wait3A_133] : memref<524288x48xf32, #tpu.memory_space<hbm>> -> memref<1024x48xf32, #tpu.memory_space<hbm>>
      %dma_wait3A_135 = arith.constant 0 : i32
      %dma_wait3A_136 = tpu.memref_slice %arg4[%add3A_98, %dma_wait3A_135] : memref<524288x48xf32, #tpu.memory_space<hbm>> -> memref<1024x48xf32, #tpu.memory_space<hbm>>
      tpu.wait_dma2 semaphore(%run_scoped3A : memref<!tpu.dma_semaphore, #tpu.memory_space<semaphore_mem>>) src(%arg6 : memref<1024x48xf32, #tpu.memory_space<vmem>>) dst(%dma_wait3A_136 : memref<1024x48xf32, #tpu.memory_space<hbm>>)
      tpu.yield
    }) : () -> ()
    %add3A_105 = arith.constant 13312 : i32
    %add3A_106 = arith.addi %mul3A_2, %add3A_105 : i32
    "tpu.region"() ({
      %run_scoped3A = tpu.sem_alloc : memref<!tpu.dma_semaphore, #tpu.memory_space<semaphore_mem>>
      %dma_start3A_129 = tpu.memref_slice %arg3[%add3A_106] : memref<524288xi32, #tpu.memory_space<hbm>> -> memref<1024xi32, #tpu.memory_space<hbm>>
      %dma_start3A_130 = tpu.memref_slice %arg3[%add3A_106] : memref<524288xi32, #tpu.memory_space<hbm>> -> memref<1024xi32, #tpu.memory_space<hbm>>
      tpu.enqueue_dma source(%dma_start3A_130 : memref<1024xi32, #tpu.memory_space<hbm>>) target(%arg5 : memref<1024xi32, #tpu.memory_space<vmem>>) target_semaphore(%run_scoped3A : memref<!tpu.dma_semaphore, #tpu.memory_space<semaphore_mem>>)
      %dma_wait3A_131 = tpu.memref_slice %arg3[%add3A_106] : memref<524288xi32, #tpu.memory_space<hbm>> -> memref<1024xi32, #tpu.memory_space<hbm>>
      %dma_wait3A_132 = tpu.memref_slice %arg3[%add3A_106] : memref<524288xi32, #tpu.memory_space<hbm>> -> memref<1024xi32, #tpu.memory_space<hbm>>
      tpu.wait_dma2 semaphore(%run_scoped3A : memref<!tpu.dma_semaphore, #tpu.memory_space<semaphore_mem>>) src(%dma_wait3A_132 : memref<1024xi32, #tpu.memory_space<hbm>>) dst(%arg5 : memref<1024xi32, #tpu.memory_space<vmem>>)
      tpu.yield
    }) : () -> ()
    %dma_start3A_107 = arith.constant 0 : i32
    %dma_start3A_108 = arith.constant 0 : i32
    %dma_start3A_109 = tpu.memref_slice %arg2[%dma_start3A_107, %dma_start3A_108] : memref<65536x48xf32, #tpu.memory_space<hbm>> -> memref<65536x48xf32, #tpu.memory_space<hbm>>
    tpu.enqueue_indirect_dma source(%dma_start3A_109 : memref<65536x48xf32, #tpu.memory_space<hbm>>) target(%arg6 : memref<1024x48xf32, #tpu.memory_space<vmem>>) offsets(%arg5 : memref<1024xi32, #tpu.memory_space<vmem>>) semaphore(%arg7 : memref<!tpu.dma_semaphore, #tpu.memory_space<semaphore_mem>>)
    %dma_wait3A_110 = arith.constant 0 : i32
    %dma_wait3A_111 = arith.constant 0 : i32
    %dma_wait3A_112 = tpu.memref_slice %arg2[%dma_wait3A_110, %dma_wait3A_111] : memref<65536x48xf32, #tpu.memory_space<hbm>> -> memref<65536x48xf32, #tpu.memory_space<hbm>>
    tpu.wait_indirect_dma semaphore(%arg7 : memref<!tpu.dma_semaphore, #tpu.memory_space<semaphore_mem>>) src(%dma_wait3A_112 : memref<65536x48xf32, #tpu.memory_space<hbm>>) dst(%arg6 : memref<1024x48xf32, #tpu.memory_space<vmem>>)
    "tpu.region"() ({
      %run_scoped3A = tpu.sem_alloc : memref<!tpu.dma_semaphore, #tpu.memory_space<semaphore_mem>>
      %dma_start3A_129 = arith.constant 0 : i32
      %dma_start3A_130 = tpu.memref_slice %arg4[%add3A_106, %dma_start3A_129] : memref<524288x48xf32, #tpu.memory_space<hbm>> -> memref<1024x48xf32, #tpu.memory_space<hbm>>
      %dma_start3A_131 = arith.constant 0 : i32
      %dma_start3A_132 = tpu.memref_slice %arg4[%add3A_106, %dma_start3A_131] : memref<524288x48xf32, #tpu.memory_space<hbm>> -> memref<1024x48xf32, #tpu.memory_space<hbm>>
      tpu.enqueue_dma source(%arg6 : memref<1024x48xf32, #tpu.memory_space<vmem>>) target(%dma_start3A_132 : memref<1024x48xf32, #tpu.memory_space<hbm>>) target_semaphore(%run_scoped3A : memref<!tpu.dma_semaphore, #tpu.memory_space<semaphore_mem>>)
      %dma_wait3A_133 = arith.constant 0 : i32
      %dma_wait3A_134 = tpu.memref_slice %arg4[%add3A_106, %dma_wait3A_133] : memref<524288x48xf32, #tpu.memory_space<hbm>> -> memref<1024x48xf32, #tpu.memory_space<hbm>>
      %dma_wait3A_135 = arith.constant 0 : i32
      %dma_wait3A_136 = tpu.memref_slice %arg4[%add3A_106, %dma_wait3A_135] : memref<524288x48xf32, #tpu.memory_space<hbm>> -> memref<1024x48xf32, #tpu.memory_space<hbm>>
      tpu.wait_dma2 semaphore(%run_scoped3A : memref<!tpu.dma_semaphore, #tpu.memory_space<semaphore_mem>>) src(%arg6 : memref<1024x48xf32, #tpu.memory_space<vmem>>) dst(%dma_wait3A_136 : memref<1024x48xf32, #tpu.memory_space<hbm>>)
      tpu.yield
    }) : () -> ()
    %add3A_113 = arith.constant 14336 : i32
    %add3A_114 = arith.addi %mul3A_2, %add3A_113 : i32
    "tpu.region"() ({
      %run_scoped3A = tpu.sem_alloc : memref<!tpu.dma_semaphore, #tpu.memory_space<semaphore_mem>>
      %dma_start3A_129 = tpu.memref_slice %arg3[%add3A_114] : memref<524288xi32, #tpu.memory_space<hbm>> -> memref<1024xi32, #tpu.memory_space<hbm>>
      %dma_start3A_130 = tpu.memref_slice %arg3[%add3A_114] : memref<524288xi32, #tpu.memory_space<hbm>> -> memref<1024xi32, #tpu.memory_space<hbm>>
      tpu.enqueue_dma source(%dma_start3A_130 : memref<1024xi32, #tpu.memory_space<hbm>>) target(%arg5 : memref<1024xi32, #tpu.memory_space<vmem>>) target_semaphore(%run_scoped3A : memref<!tpu.dma_semaphore, #tpu.memory_space<semaphore_mem>>)
      %dma_wait3A_131 = tpu.memref_slice %arg3[%add3A_114] : memref<524288xi32, #tpu.memory_space<hbm>> -> memref<1024xi32, #tpu.memory_space<hbm>>
      %dma_wait3A_132 = tpu.memref_slice %arg3[%add3A_114] : memref<524288xi32, #tpu.memory_space<hbm>> -> memref<1024xi32, #tpu.memory_space<hbm>>
      tpu.wait_dma2 semaphore(%run_scoped3A : memref<!tpu.dma_semaphore, #tpu.memory_space<semaphore_mem>>) src(%dma_wait3A_132 : memref<1024xi32, #tpu.memory_space<hbm>>) dst(%arg5 : memref<1024xi32, #tpu.memory_space<vmem>>)
      tpu.yield
    }) : () -> ()
    %dma_start3A_115 = arith.constant 0 : i32
    %dma_start3A_116 = arith.constant 0 : i32
    %dma_start3A_117 = tpu.memref_slice %arg2[%dma_start3A_115, %dma_start3A_116] : memref<65536x48xf32, #tpu.memory_space<hbm>> -> memref<65536x48xf32, #tpu.memory_space<hbm>>
    tpu.enqueue_indirect_dma source(%dma_start3A_117 : memref<65536x48xf32, #tpu.memory_space<hbm>>) target(%arg6 : memref<1024x48xf32, #tpu.memory_space<vmem>>) offsets(%arg5 : memref<1024xi32, #tpu.memory_space<vmem>>) semaphore(%arg7 : memref<!tpu.dma_semaphore, #tpu.memory_space<semaphore_mem>>)
    %dma_wait3A_118 = arith.constant 0 : i32
    %dma_wait3A_119 = arith.constant 0 : i32
    %dma_wait3A_120 = tpu.memref_slice %arg2[%dma_wait3A_118, %dma_wait3A_119] : memref<65536x48xf32, #tpu.memory_space<hbm>> -> memref<65536x48xf32, #tpu.memory_space<hbm>>
    tpu.wait_indirect_dma semaphore(%arg7 : memref<!tpu.dma_semaphore, #tpu.memory_space<semaphore_mem>>) src(%dma_wait3A_120 : memref<65536x48xf32, #tpu.memory_space<hbm>>) dst(%arg6 : memref<1024x48xf32, #tpu.memory_space<vmem>>)
    "tpu.region"() ({
      %run_scoped3A = tpu.sem_alloc : memref<!tpu.dma_semaphore, #tpu.memory_space<semaphore_mem>>
      %dma_start3A_129 = arith.constant 0 : i32
      %dma_start3A_130 = tpu.memref_slice %arg4[%add3A_114, %dma_start3A_129] : memref<524288x48xf32, #tpu.memory_space<hbm>> -> memref<1024x48xf32, #tpu.memory_space<hbm>>
      %dma_start3A_131 = arith.constant 0 : i32
      %dma_start3A_132 = tpu.memref_slice %arg4[%add3A_114, %dma_start3A_131] : memref<524288x48xf32, #tpu.memory_space<hbm>> -> memref<1024x48xf32, #tpu.memory_space<hbm>>
      tpu.enqueue_dma source(%arg6 : memref<1024x48xf32, #tpu.memory_space<vmem>>) target(%dma_start3A_132 : memref<1024x48xf32, #tpu.memory_space<hbm>>) target_semaphore(%run_scoped3A : memref<!tpu.dma_semaphore, #tpu.memory_space<semaphore_mem>>)
      %dma_wait3A_133 = arith.constant 0 : i32
      %dma_wait3A_134 = tpu.memref_slice %arg4[%add3A_114, %dma_wait3A_133] : memref<524288x48xf32, #tpu.memory_space<hbm>> -> memref<1024x48xf32, #tpu.memory_space<hbm>>
      %dma_wait3A_135 = arith.constant 0 : i32
      %dma_wait3A_136 = tpu.memref_slice %arg4[%add3A_114, %dma_wait3A_135] : memref<524288x48xf32, #tpu.memory_space<hbm>> -> memref<1024x48xf32, #tpu.memory_space<hbm>>
      tpu.wait_dma2 semaphore(%run_scoped3A : memref<!tpu.dma_semaphore, #tpu.memory_space<semaphore_mem>>) src(%arg6 : memref<1024x48xf32, #tpu.memory_space<vmem>>) dst(%dma_wait3A_136 : memref<1024x48xf32, #tpu.memory_space<hbm>>)
      tpu.yield
    }) : () -> ()
    %add3A_121 = arith.constant 15360 : i32
    %add3A_122 = arith.addi %mul3A_2, %add3A_121 : i32
    "tpu.region"() ({
      %run_scoped3A = tpu.sem_alloc : memref<!tpu.dma_semaphore, #tpu.memory_space<semaphore_mem>>
      %dma_start3A_129 = tpu.memref_slice %arg3[%add3A_122] : memref<524288xi32, #tpu.memory_space<hbm>> -> memref<1024xi32, #tpu.memory_space<hbm>>
      %dma_start3A_130 = tpu.memref_slice %arg3[%add3A_122] : memref<524288xi32, #tpu.memory_space<hbm>> -> memref<1024xi32, #tpu.memory_space<hbm>>
      tpu.enqueue_dma source(%dma_start3A_130 : memref<1024xi32, #tpu.memory_space<hbm>>) target(%arg5 : memref<1024xi32, #tpu.memory_space<vmem>>) target_semaphore(%run_scoped3A : memref<!tpu.dma_semaphore, #tpu.memory_space<semaphore_mem>>)
      %dma_wait3A_131 = tpu.memref_slice %arg3[%add3A_122] : memref<524288xi32, #tpu.memory_space<hbm>> -> memref<1024xi32, #tpu.memory_space<hbm>>
      %dma_wait3A_132 = tpu.memref_slice %arg3[%add3A_122] : memref<524288xi32, #tpu.memory_space<hbm>> -> memref<1024xi32, #tpu.memory_space<hbm>>
      tpu.wait_dma2 semaphore(%run_scoped3A : memref<!tpu.dma_semaphore, #tpu.memory_space<semaphore_mem>>) src(%dma_wait3A_132 : memref<1024xi32, #tpu.memory_space<hbm>>) dst(%arg5 : memref<1024xi32, #tpu.memory_space<vmem>>)
      tpu.yield
    }) : () -> ()
    %dma_start3A_123 = arith.constant 0 : i32
    %dma_start3A_124 = arith.constant 0 : i32
    %dma_start3A_125 = tpu.memref_slice %arg2[%dma_start3A_123, %dma_start3A_124] : memref<65536x48xf32, #tpu.memory_space<hbm>> -> memref<65536x48xf32, #tpu.memory_space<hbm>>
    tpu.enqueue_indirect_dma source(%dma_start3A_125 : memref<65536x48xf32, #tpu.memory_space<hbm>>) target(%arg6 : memref<1024x48xf32, #tpu.memory_space<vmem>>) offsets(%arg5 : memref<1024xi32, #tpu.memory_space<vmem>>) semaphore(%arg7 : memref<!tpu.dma_semaphore, #tpu.memory_space<semaphore_mem>>)
    %dma_wait3A_126 = arith.constant 0 : i32
    %dma_wait3A_127 = arith.constant 0 : i32
    %dma_wait3A_128 = tpu.memref_slice %arg2[%dma_wait3A_126, %dma_wait3A_127] : memref<65536x48xf32, #tpu.memory_space<hbm>> -> memref<65536x48xf32, #tpu.memory_space<hbm>>
    tpu.wait_indirect_dma semaphore(%arg7 : memref<!tpu.dma_semaphore, #tpu.memory_space<semaphore_mem>>) src(%dma_wait3A_128 : memref<65536x48xf32, #tpu.memory_space<hbm>>) dst(%arg6 : memref<1024x48xf32, #tpu.memory_space<vmem>>)
    "tpu.region"() ({
      %run_scoped3A = tpu.sem_alloc : memref<!tpu.dma_semaphore, #tpu.memory_space<semaphore_mem>>
      %dma_start3A_129 = arith.constant 0 : i32
      %dma_start3A_130 = tpu.memref_slice %arg4[%add3A_122, %dma_start3A_129] : memref<524288x48xf32, #tpu.memory_space<hbm>> -> memref<1024x48xf32, #tpu.memory_space<hbm>>
      %dma_start3A_131 = arith.constant 0 : i32
      %dma_start3A_132 = tpu.memref_slice %arg4[%add3A_122, %dma_start3A_131] : memref<524288x48xf32, #tpu.memory_space<hbm>> -> memref<1024x48xf32, #tpu.memory_space<hbm>>
      tpu.enqueue_dma source(%arg6 : memref<1024x48xf32, #tpu.memory_space<vmem>>) target(%dma_start3A_132 : memref<1024x48xf32, #tpu.memory_space<hbm>>) target_semaphore(%run_scoped3A : memref<!tpu.dma_semaphore, #tpu.memory_space<semaphore_mem>>)
      %dma_wait3A_133 = arith.constant 0 : i32
      %dma_wait3A_134 = tpu.memref_slice %arg4[%add3A_122, %dma_wait3A_133] : memref<524288x48xf32, #tpu.memory_space<hbm>> -> memref<1024x48xf32, #tpu.memory_space<hbm>>
      %dma_wait3A_135 = arith.constant 0 : i32
      %dma_wait3A_136 = tpu.memref_slice %arg4[%add3A_122, %dma_wait3A_135] : memref<524288x48xf32, #tpu.memory_space<hbm>> -> memref<1024x48xf32, #tpu.memory_space<hbm>>
      tpu.wait_dma2 semaphore(%run_scoped3A : memref<!tpu.dma_semaphore, #tpu.memory_space<semaphore_mem>>) src(%arg6 : memref<1024x48xf32, #tpu.memory_space<vmem>>) dst(%dma_wait3A_136 : memref<1024x48xf32, #tpu.memory_space<hbm>>)
      tpu.yield
    }) : () -> ()
    return
  }
}

module attributes {stable_mosaic.version = 14 : i64} {
  func.func @_fps_body(%arg0: memref<16x3x4096xf32, #tpu.memory_space<vmem>>, %arg1: memref<16x3x1024xf32, #tpu.memory_space<vmem>>) attributes {dimension_semantics = [], scalar_prefetch = 0 : i64, scratch_operands = 0 : i64, tpu.core_type = #tpu.core_type<tc>} {
    %get3A = arith.constant 0 : index
    %get3A_0 = arith.constant 0 : index
    %get3A_1 = arith.constant 0 : index
    %get3A_2 = vector.load %arg0[%get3A, %get3A_0, %get3A_1] : memref<16x3x4096xf32, #tpu.memory_space<vmem>>, vector<16x1x4096xf32>
    %get3A_3 = vector.shape_cast %get3A_2 : vector<16x1x4096xf32> to vector<16x4096xf32>
    %get3A_4 = arith.constant 0 : index
    %get3A_5 = arith.constant 1 : index
    %get3A_6 = arith.constant 0 : index
    %get3A_7 = vector.load %arg0[%get3A_4, %get3A_5, %get3A_6] : memref<16x3x4096xf32, #tpu.memory_space<vmem>>, vector<16x1x4096xf32>
    %get3A_8 = vector.shape_cast %get3A_7 : vector<16x1x4096xf32> to vector<16x4096xf32>
    %get3A_9 = arith.constant 0 : index
    %get3A_10 = arith.constant 2 : index
    %get3A_11 = arith.constant 0 : index
    %get3A_12 = vector.load %arg0[%get3A_9, %get3A_10, %get3A_11] : memref<16x3x4096xf32, #tpu.memory_space<vmem>>, vector<16x1x4096xf32>
    %get3A_13 = vector.shape_cast %get3A_12 : vector<16x1x4096xf32> to vector<16x4096xf32>
    %iota3A = tpu.iota {dimensions = array<i32: 1>} : vector<16x4096xi32>
    %iota3A_14 = tpu.iota {dimensions = array<i32: 2>} : vector<16x3x1024xi32>
    %broadcast_in_dim3A = arith.constant 1.000000e+10 : f32
    %broadcast_in_dim3A_15 = vector.broadcast %broadcast_in_dim3A : f32 to vector<16x4096xf32>
    %broadcast_in_dim3A_16 = arith.constant 0 : i32
    %broadcast_in_dim3A_17 = vector.broadcast %broadcast_in_dim3A_16 : i32 to vector<16x1xi32>
    %broadcast_in_dim3A_18 = arith.constant 0.000000e+00 : f32
    %broadcast_in_dim3A_19 = vector.broadcast %broadcast_in_dim3A_18 : f32 to vector<16x3x1024xf32>
    %scan3A = arith.constant 0 : i32
    %scan3A_20 = arith.constant 1024 : i32
    %scan3A_21 = arith.addi %scan3A, %scan3A_20 : i32
    %scan3A_22 = arith.constant 1 : i32
    %scan3A_23:3 = scf.for %scan3A_28 = %scan3A to %scan3A_21 step %scan3A_22 iter_args(%scan3A_29 = %broadcast_in_dim3A_15, %scan3A_30 = %broadcast_in_dim3A_17, %scan3A_31 = %broadcast_in_dim3A_19) -> (vector<16x4096xf32>, vector<16x1xi32>, vector<16x3x1024xf32>)  : i32 {
      %eq3A = vector.broadcast %scan3A_30 : vector<16x1xi32> to vector<16x4096xi32>
      %eq3A_32 = arith.cmpi eq, %iota3A, %eq3A : vector<16x4096xi32>
      %jit3A = arith.constant 0.000000e+00 : f32
      %broadcast_in_dim3A_33 = vector.broadcast %jit3A : f32 to vector<16x4096xf32>
      %select_n3A = arith.select %eq3A_32, %get3A_3, %broadcast_in_dim3A_33 : vector<16x4096xi1>, vector<16x4096xf32>
      %reduce_sum3A = arith.constant dense<0.000000e+00> : vector<16xf32>
      %reduce_sum3A_34 = vector.multi_reduction <add>, %select_n3A, %reduce_sum3A [1] : vector<16x4096xf32> to vector<16xf32>
      %broadcast_in_dim3A_35 = vector.shape_cast %reduce_sum3A_34 : vector<16xf32> to vector<16x1xf32>
      %jit3A_36 = arith.constant 0.000000e+00 : f32
      %broadcast_in_dim3A_37 = vector.broadcast %jit3A_36 : f32 to vector<16x4096xf32>
      %select_n3A_38 = arith.select %eq3A_32, %get3A_8, %broadcast_in_dim3A_37 : vector<16x4096xi1>, vector<16x4096xf32>
      %reduce_sum3A_39 = arith.constant dense<0.000000e+00> : vector<16xf32>
      %reduce_sum3A_40 = vector.multi_reduction <add>, %select_n3A_38, %reduce_sum3A_39 [1] : vector<16x4096xf32> to vector<16xf32>
      %broadcast_in_dim3A_41 = vector.shape_cast %reduce_sum3A_40 : vector<16xf32> to vector<16x1xf32>
      %jit3A_42 = arith.constant 0.000000e+00 : f32
      %broadcast_in_dim3A_43 = vector.broadcast %jit3A_42 : f32 to vector<16x4096xf32>
      %select_n3A_44 = arith.select %eq3A_32, %get3A_13, %broadcast_in_dim3A_43 : vector<16x4096xi1>, vector<16x4096xf32>
      %reduce_sum3A_45 = arith.constant dense<0.000000e+00> : vector<16xf32>
      %reduce_sum3A_46 = vector.multi_reduction <add>, %select_n3A_44, %reduce_sum3A_45 [1] : vector<16x4096xf32> to vector<16xf32>
      %broadcast_in_dim3A_47 = vector.shape_cast %reduce_sum3A_46 : vector<16xf32> to vector<16x1xf32>
      %concatenate3A = tpu.concatenate %broadcast_in_dim3A_35, %broadcast_in_dim3A_41, %broadcast_in_dim3A_47 in 1 : vector<16x1xf32>, vector<16x1xf32>, vector<16x1xf32> -> vector<16x3xf32>
      %broadcast_in_dim3A_48 = vector.shape_cast %concatenate3A : vector<16x3xf32> to vector<16x3x1xf32>
      %eq3A_49 = vector.broadcast %scan3A_28 : i32 to vector<16x3x1024xi32>
      %eq3A_50 = arith.cmpi eq, %iota3A_14, %eq3A_49 : vector<16x3x1024xi32>
      %broadcast_in_dim3A_51 = vector.shape_cast %broadcast_in_dim3A_48 : vector<16x3x1xf32> to vector<16x3x1xf32>
      %broadcast_in_dim3A_52 = vector.broadcast %broadcast_in_dim3A_51 : vector<16x3x1xf32> to vector<16x3x1024xf32>
      %select_n3A_53 = arith.select %eq3A_50, %broadcast_in_dim3A_52, %scan3A_31 : vector<16x3x1024xi1>, vector<16x3x1024xf32>
      %sub3A = vector.broadcast %broadcast_in_dim3A_35 : vector<16x1xf32> to vector<16x4096xf32>
      %sub3A_54 = arith.subf %get3A_3, %sub3A : vector<16x4096xf32>
      %sub3A_55 = vector.broadcast %broadcast_in_dim3A_41 : vector<16x1xf32> to vector<16x4096xf32>
      %sub3A_56 = arith.subf %get3A_8, %sub3A_55 : vector<16x4096xf32>
      %sub3A_57 = vector.broadcast %broadcast_in_dim3A_47 : vector<16x1xf32> to vector<16x4096xf32>
      %sub3A_58 = arith.subf %get3A_13, %sub3A_57 : vector<16x4096xf32>
      %mul3A = arith.mulf %sub3A_54, %sub3A_54 : vector<16x4096xf32>
      %mul3A_59 = arith.mulf %sub3A_58, %sub3A_58 : vector<16x4096xf32>
      %add3A = arith.addf %mul3A, %mul3A_59 : vector<16x4096xf32>
      %mul3A_60 = arith.mulf %sub3A_56, %sub3A_56 : vector<16x4096xf32>
      %add3A_61 = arith.addf %add3A, %mul3A_60 : vector<16x4096xf32>
      %min3A = arith.minimumf %scan3A_29, %add3A_61 : vector<16x4096xf32>
      %reduce_max3A = arith.constant dense<0xFF800000> : vector<16xf32>
      %reduce_max3A_62 = vector.multi_reduction <maximumf>, %min3A, %reduce_max3A [1] : vector<16x4096xf32> to vector<16xf32>
      %broadcast_in_dim3A_63 = vector.shape_cast %reduce_max3A_62 : vector<16xf32> to vector<16x1xf32>
      %eq3A_64 = vector.broadcast %broadcast_in_dim3A_63 : vector<16x1xf32> to vector<16x4096xf32>
      %eq3A_65 = arith.cmpf oeq, %min3A, %eq3A_64 : vector<16x4096xf32>
      %jit3A_66 = arith.constant 4096 : i32
      %broadcast_in_dim3A_67 = vector.broadcast %jit3A_66 : i32 to vector<16x4096xi32>
      %select_n3A_68 = arith.select %eq3A_65, %iota3A, %broadcast_in_dim3A_67 : vector<16x4096xi1>, vector<16x4096xi32>
      %reduce_min3A = arith.constant dense<2147483647> : vector<16xi32>
      %reduce_min3A_69 = vector.multi_reduction <minsi>, %select_n3A_68, %reduce_min3A [1] : vector<16x4096xi32> to vector<16xi32>
      %broadcast_in_dim3A_70 = vector.shape_cast %reduce_min3A_69 : vector<16xi32> to vector<16x1xi32>
      scf.yield %min3A, %broadcast_in_dim3A_70, %select_n3A_53 : vector<16x4096xf32>, vector<16x1xi32>, vector<16x3x1024xf32>
    }
    %scan3A_24 = arith.constant 1024 : i32
    %swap3A = arith.constant 0 : index
    %swap3A_25 = arith.constant 0 : index
    %swap3A_26 = arith.constant 0 : index
    %swap3A_27 = vector.load %arg1[%swap3A, %swap3A_25, %swap3A_26] : memref<16x3x1024xf32, #tpu.memory_space<vmem>>, vector<16x3x1024xf32>
    tpu.vector_store %arg1[%swap3A, %swap3A_25, %swap3A_26], %scan3A_23#2 {strides = array<i32>} : memref<16x3x1024xf32, #tpu.memory_space<vmem>>, vector<16x3x1024xf32>,
    return
  }
}

module attributes {stable_mosaic.version = 14 : i64} {
  func.func @_bq_body(%arg0: i32, %arg1: i32, %arg2: memref<1x3x4096xf32, #tpu.memory_space<vmem>>, %arg3: memref<1x3x1024xf32, #tpu.memory_space<vmem>>, %arg4: memref<1x256x32xi32, #tpu.memory_space<vmem>>) attributes {dimension_semantics = [#tpu.dimension_semantics<arbitrary>, #tpu.dimension_semantics<arbitrary>], iteration_bounds = array<i64: 16, 4>, scalar_prefetch = 0 : i64, scratch_operands = 0 : i64, tpu.core_type = #tpu.core_type<tc>, window_params = [{transform_indices = @transform_0, window_bounds = array<i64: 1, 3, 4096>}, {transform_indices = @transform_1, window_bounds = array<i64: 1, 3, 1024>}, {transform_indices = @transform_2, window_bounds = array<i64: 1, 256, 32>}]} {
    %get3A = arith.constant 0 : index
    %get3A_0 = arith.constant 0 : index
    %get3A_1 = arith.constant 0 : index
    %get3A_2 = vector.load %arg2[%get3A, %get3A_0, %get3A_1] : memref<1x3x4096xf32, #tpu.memory_space<vmem>>, vector<1x3x4096xf32>
    %get3A_3 = vector.shape_cast %get3A_2 : vector<1x3x4096xf32> to vector<3x4096xf32>
    %mul3A = arith.constant 256 : i32
    %mul3A_4 = arith.muli %arg1, %mul3A : i32
    %get3A_5 = arith.constant 0 : index
    %get3A_6 = arith.constant 0 : index
    %get3A_7 = arith.index_cast %mul3A_4 : i32 to index
    %get3A_8 = vector.load %arg3[%get3A_5, %get3A_6, %get3A_7] : memref<1x3x1024xf32, #tpu.memory_space<vmem>>, vector<1x3x256xf32>
    %get3A_9 = vector.shape_cast %get3A_8 : vector<1x3x256xf32> to vector<3x256xf32>
    %mul3A_10 = arith.mulf %get3A_3, %get3A_3 : vector<3x4096xf32>
    %slice3A = vector.extract_strided_slice %mul3A_10 {offsets = [0, 0], sizes = [1, 4096], strides = [1, 1]} : vector<3x4096xf32> to vector<1x4096xf32>
    %slice3A_11 = vector.extract_strided_slice %mul3A_10 {offsets = [1, 0], sizes = [1, 4096], strides = [1, 1]} : vector<3x4096xf32> to vector<1x4096xf32>
    %add3A = arith.addf %slice3A, %slice3A_11 : vector<1x4096xf32>
    %slice3A_12 = vector.extract_strided_slice %mul3A_10 {offsets = [2, 0], sizes = [1, 4096], strides = [1, 1]} : vector<3x4096xf32> to vector<1x4096xf32>
    %add3A_13 = arith.addf %add3A, %slice3A_12 : vector<1x4096xf32>
    %mul3A_14 = arith.mulf %get3A_9, %get3A_9 : vector<3x256xf32>
    %slice3A_15 = vector.extract_strided_slice %mul3A_14 {offsets = [0, 0], sizes = [1, 256], strides = [1, 1]} : vector<3x256xf32> to vector<1x256xf32>
    %slice3A_16 = vector.extract_strided_slice %mul3A_14 {offsets = [1, 0], sizes = [1, 256], strides = [1, 1]} : vector<3x256xf32> to vector<1x256xf32>
    %add3A_17 = arith.addf %slice3A_15, %slice3A_16 : vector<1x256xf32>
    %slice3A_18 = vector.extract_strided_slice %mul3A_14 {offsets = [2, 0], sizes = [1, 256], strides = [1, 1]} : vector<3x256xf32> to vector<1x256xf32>
    %add3A_19 = arith.addf %add3A_17, %slice3A_18 : vector<1x256xf32>
    %transpose3A = tpu.transpose %get3A_9, [1, 0] : vector<3x256xf32> -> vector<256x3xf32>
    %dot_general3A = arith.constant dense<0.000000e+00> : vector<256x4096xf32>
    %dot_general3A_20 = tpu.matmul %transpose3A, %get3A_3, %dot_general3A {dimension_numbers = #tpu.dot_dimension_numbers<[1], [0], [0], [1], [0, 0, 1, 1], [], []>, transpose_lhs_hint = false} : vector<256x3xf32>, vector<3x4096xf32>, vector<256x4096xf32> -> vector<256x4096xf32>
    %transpose3A_21 = tpu.transpose %add3A_19, [1, 0] : vector<1x256xf32> -> vector<256x1xf32>
    %add3A_22 = vector.broadcast %transpose3A_21 : vector<256x1xf32> to vector<256x4096xf32>
    %add3A_23 = vector.broadcast %add3A_13 : vector<1x4096xf32> to vector<256x4096xf32>
    %add3A_24 = arith.addf %add3A_22, %add3A_23 : vector<256x4096xf32>
    %mul3A_25 = arith.constant 2.000000e+00 : f32
    %mul3A_26 = vector.broadcast %mul3A_25 : f32 to vector<256x4096xf32>
    %mul3A_27 = arith.mulf %mul3A_26, %dot_general3A_20 : vector<256x4096xf32>
    %sub3A = arith.subf %add3A_24, %mul3A_27 : vector<256x4096xf32>
    %iota3A = tpu.iota {dimensions = array<i32: 1>} : vector<256x4096xi32>
    %le3A = arith.constant 4.000000e-02 : f32
    %le3A_28 = vector.broadcast %le3A : f32 to vector<256x4096xf32>
    %le3A_29 = arith.cmpf ole, %sub3A, %le3A_28 : vector<256x4096xf32>
    %jit3A = arith.constant 4096 : i32
    %broadcast_in_dim3A = vector.broadcast %jit3A : i32 to vector<256x4096xi32>
    %select_n3A = arith.select %le3A_29, %iota3A, %broadcast_in_dim3A : vector<256x4096xi1>, vector<256x4096xi32>
    %reduce_min3A = arith.constant dense<2147483647> : vector<256xi32>
    %reduce_min3A_30 = vector.multi_reduction <minsi>, %select_n3A, %reduce_min3A [1] : vector<256x4096xi32> to vector<256xi32>
    %broadcast_in_dim3A_31 = vector.shape_cast %reduce_min3A_30 : vector<256xi32> to vector<256x1xi32>
    %eq3A = vector.broadcast %broadcast_in_dim3A_31 : vector<256x1xi32> to vector<256x4096xi32>
    %eq3A_32 = arith.cmpi eq, %select_n3A, %eq3A : vector<256x4096xi32>
    %jit3A_33 = arith.constant 4096 : i32
    %broadcast_in_dim3A_34 = vector.broadcast %jit3A_33 : i32 to vector<256x4096xi32>
    %select_n3A_35 = arith.select %eq3A_32, %broadcast_in_dim3A_34, %select_n3A : vector<256x4096xi1>, vector<256x4096xi32>
    %reduce_min3A_36 = arith.constant dense<2147483647> : vector<256xi32>
    %reduce_min3A_37 = vector.multi_reduction <minsi>, %select_n3A_35, %reduce_min3A_36 [1] : vector<256x4096xi32> to vector<256xi32>
    %broadcast_in_dim3A_38 = vector.shape_cast %reduce_min3A_37 : vector<256xi32> to vector<256x1xi32>
    %eq3A_39 = vector.broadcast %broadcast_in_dim3A_38 : vector<256x1xi32> to vector<256x4096xi32>
    %eq3A_40 = arith.cmpi eq, %select_n3A_35, %eq3A_39 : vector<256x4096xi32>
    %jit3A_41 = arith.constant 4096 : i32
    %broadcast_in_dim3A_42 = vector.broadcast %jit3A_41 : i32 to vector<256x4096xi32>
    %select_n3A_43 = arith.select %eq3A_40, %broadcast_in_dim3A_42, %select_n3A_35 : vector<256x4096xi1>, vector<256x4096xi32>
    %eq3A_44 = arith.constant 4096 : i32
    %eq3A_45 = vector.broadcast %eq3A_44 : i32 to vector<256x1xi32>
    %eq3A_46 = arith.cmpi eq, %broadcast_in_dim3A_38, %eq3A_45 : vector<256x1xi32>
    %select_n3A_47 = arith.select %eq3A_46, %broadcast_in_dim3A_31, %broadcast_in_dim3A_38 : vector<256x1xi1>, vector<256x1xi32>
    %reduce_min3A_48 = arith.constant dense<2147483647> : vector<256xi32>
    %reduce_min3A_49 = vector.multi_reduction <minsi>, %select_n3A_43, %reduce_min3A_48 [1] : vector<256x4096xi32> to vector<256xi32>
    %broadcast_in_dim3A_50 = vector.shape_cast %reduce_min3A_49 : vector<256xi32> to vector<256x1xi32>
    %eq3A_51 = vector.broadcast %broadcast_in_dim3A_50 : vector<256x1xi32> to vector<256x4096xi32>
    %eq3A_52 = arith.cmpi eq, %select_n3A_43, %eq3A_51 : vector<256x4096xi32>
    %jit3A_53 = arith.constant 4096 : i32
    %broadcast_in_dim3A_54 = vector.broadcast %jit3A_53 : i32 to vector<256x4096xi32>
    %select_n3A_55 = arith.select %eq3A_52, %broadcast_in_dim3A_54, %select_n3A_43 : vector<256x4096xi1>, vector<256x4096xi32>
    %eq3A_56 = arith.constant 4096 : i32
    %eq3A_57 = vector.broadcast %eq3A_56 : i32 to vector<256x1xi32>
    %eq3A_58 = arith.cmpi eq, %broadcast_in_dim3A_50, %eq3A_57 : vector<256x1xi32>
    %select_n3A_59 = arith.select %eq3A_58, %broadcast_in_dim3A_31, %broadcast_in_dim3A_50 : vector<256x1xi1>, vector<256x1xi32>
    %reduce_min3A_60 = arith.constant dense<2147483647> : vector<256xi32>
    %reduce_min3A_61 = vector.multi_reduction <minsi>, %select_n3A_55, %reduce_min3A_60 [1] : vector<256x4096xi32> to vector<256xi32>
    %broadcast_in_dim3A_62 = vector.shape_cast %reduce_min3A_61 : vector<256xi32> to vector<256x1xi32>
    %eq3A_63 = vector.broadcast %broadcast_in_dim3A_62 : vector<256x1xi32> to vector<256x4096xi32>
    %eq3A_64 = arith.cmpi eq, %select_n3A_55, %eq3A_63 : vector<256x4096xi32>
    %jit3A_65 = arith.constant 4096 : i32
    %broadcast_in_dim3A_66 = vector.broadcast %jit3A_65 : i32 to vector<256x4096xi32>
    %select_n3A_67 = arith.select %eq3A_64, %broadcast_in_dim3A_66, %select_n3A_55 : vector<256x4096xi1>, vector<256x4096xi32>
    %eq3A_68 = arith.constant 4096 : i32
    %eq3A_69 = vector.broadcast %eq3A_68 : i32 to vector<256x1xi32>
    %eq3A_70 = arith.cmpi eq, %broadcast_in_dim3A_62, %eq3A_69 : vector<256x1xi32>
    %select_n3A_71 = arith.select %eq3A_70, %broadcast_in_dim3A_31, %broadcast_in_dim3A_62 : vector<256x1xi1>, vector<256x1xi32>
    %reduce_min3A_72 = arith.constant dense<2147483647> : vector<256xi32>
    %reduce_min3A_73 = vector.multi_reduction <minsi>, %select_n3A_67, %reduce_min3A_72 [1] : vector<256x4096xi32> to vector<256xi32>
    %broadcast_in_dim3A_74 = vector.shape_cast %reduce_min3A_73 : vector<256xi32> to vector<256x1xi32>
    %eq3A_75 = vector.broadcast %broadcast_in_dim3A_74 : vector<256x1xi32> to vector<256x4096xi32>
    %eq3A_76 = arith.cmpi eq, %select_n3A_67, %eq3A_75 : vector<256x4096xi32>
    %jit3A_77 = arith.constant 4096 : i32
    %broadcast_in_dim3A_78 = vector.broadcast %jit3A_77 : i32 to vector<256x4096xi32>
    %select_n3A_79 = arith.select %eq3A_76, %broadcast_in_dim3A_78, %select_n3A_67 : vector<256x4096xi1>, vector<256x4096xi32>
    %eq3A_80 = arith.constant 4096 : i32
    %eq3A_81 = vector.broadcast %eq3A_80 : i32 to vector<256x1xi32>
    %eq3A_82 = arith.cmpi eq, %broadcast_in_dim3A_74, %eq3A_81 : vector<256x1xi32>
    %select_n3A_83 = arith.select %eq3A_82, %broadcast_in_dim3A_31, %broadcast_in_dim3A_74 : vector<256x1xi1>, vector<256x1xi32>
    %reduce_min3A_84 = arith.constant dense<2147483647> : vector<256xi32>
    %reduce_min3A_85 = vector.multi_reduction <minsi>, %select_n3A_79, %reduce_min3A_84 [1] : vector<256x4096xi32> to vector<256xi32>
    %broadcast_in_dim3A_86 = vector.shape_cast %reduce_min3A_85 : vector<256xi32> to vector<256x1xi32>
    %eq3A_87 = vector.broadcast %broadcast_in_dim3A_86 : vector<256x1xi32> to vector<256x4096xi32>
    %eq3A_88 = arith.cmpi eq, %select_n3A_79, %eq3A_87 : vector<256x4096xi32>
    %jit3A_89 = arith.constant 4096 : i32
    %broadcast_in_dim3A_90 = vector.broadcast %jit3A_89 : i32 to vector<256x4096xi32>
    %select_n3A_91 = arith.select %eq3A_88, %broadcast_in_dim3A_90, %select_n3A_79 : vector<256x4096xi1>, vector<256x4096xi32>
    %eq3A_92 = arith.constant 4096 : i32
    %eq3A_93 = vector.broadcast %eq3A_92 : i32 to vector<256x1xi32>
    %eq3A_94 = arith.cmpi eq, %broadcast_in_dim3A_86, %eq3A_93 : vector<256x1xi32>
    %select_n3A_95 = arith.select %eq3A_94, %broadcast_in_dim3A_31, %broadcast_in_dim3A_86 : vector<256x1xi1>, vector<256x1xi32>
    %reduce_min3A_96 = arith.constant dense<2147483647> : vector<256xi32>
    %reduce_min3A_97 = vector.multi_reduction <minsi>, %select_n3A_91, %reduce_min3A_96 [1] : vector<256x4096xi32> to vector<256xi32>
    %broadcast_in_dim3A_98 = vector.shape_cast %reduce_min3A_97 : vector<256xi32> to vector<256x1xi32>
    %eq3A_99 = vector.broadcast %broadcast_in_dim3A_98 : vector<256x1xi32> to vector<256x4096xi32>
    %eq3A_100 = arith.cmpi eq, %select_n3A_91, %eq3A_99 : vector<256x4096xi32>
    %jit3A_101 = arith.constant 4096 : i32
    %broadcast_in_dim3A_102 = vector.broadcast %jit3A_101 : i32 to vector<256x4096xi32>
    %select_n3A_103 = arith.select %eq3A_100, %broadcast_in_dim3A_102, %select_n3A_91 : vector<256x4096xi1>, vector<256x4096xi32>
    %eq3A_104 = arith.constant 4096 : i32
    %eq3A_105 = vector.broadcast %eq3A_104 : i32 to vector<256x1xi32>
    %eq3A_106 = arith.cmpi eq, %broadcast_in_dim3A_98, %eq3A_105 : vector<256x1xi32>
    %select_n3A_107 = arith.select %eq3A_106, %broadcast_in_dim3A_31, %broadcast_in_dim3A_98 : vector<256x1xi1>, vector<256x1xi32>
    %reduce_min3A_108 = arith.constant dense<2147483647> : vector<256xi32>
    %reduce_min3A_109 = vector.multi_reduction <minsi>, %select_n3A_103, %reduce_min3A_108 [1] : vector<256x4096xi32> to vector<256xi32>
    %broadcast_in_dim3A_110 = vector.shape_cast %reduce_min3A_109 : vector<256xi32> to vector<256x1xi32>
    %eq3A_111 = vector.broadcast %broadcast_in_dim3A_110 : vector<256x1xi32> to vector<256x4096xi32>
    %eq3A_112 = arith.cmpi eq, %select_n3A_103, %eq3A_111 : vector<256x4096xi32>
    %jit3A_113 = arith.constant 4096 : i32
    %broadcast_in_dim3A_114 = vector.broadcast %jit3A_113 : i32 to vector<256x4096xi32>
    %select_n3A_115 = arith.select %eq3A_112, %broadcast_in_dim3A_114, %select_n3A_103 : vector<256x4096xi1>, vector<256x4096xi32>
    %eq3A_116 = arith.constant 4096 : i32
    %eq3A_117 = vector.broadcast %eq3A_116 : i32 to vector<256x1xi32>
    %eq3A_118 = arith.cmpi eq, %broadcast_in_dim3A_110, %eq3A_117 : vector<256x1xi32>
    %select_n3A_119 = arith.select %eq3A_118, %broadcast_in_dim3A_31, %broadcast_in_dim3A_110 : vector<256x1xi1>, vector<256x1xi32>
    %reduce_min3A_120 = arith.constant dense<2147483647> : vector<256xi32>
    %reduce_min3A_121 = vector.multi_reduction <minsi>, %select_n3A_115, %reduce_min3A_120 [1] : vector<256x4096xi32> to vector<256xi32>
    %broadcast_in_dim3A_122 = vector.shape_cast %reduce_min3A_121 : vector<256xi32> to vector<256x1xi32>
    %eq3A_123 = vector.broadcast %broadcast_in_dim3A_122 : vector<256x1xi32> to vector<256x4096xi32>
    %eq3A_124 = arith.cmpi eq, %select_n3A_115, %eq3A_123 : vector<256x4096xi32>
    %jit3A_125 = arith.constant 4096 : i32
    %broadcast_in_dim3A_126 = vector.broadcast %jit3A_125 : i32 to vector<256x4096xi32>
    %select_n3A_127 = arith.select %eq3A_124, %broadcast_in_dim3A_126, %select_n3A_115 : vector<256x4096xi1>, vector<256x4096xi32>
    %eq3A_128 = arith.constant 4096 : i32
    %eq3A_129 = vector.broadcast %eq3A_128 : i32 to vector<256x1xi32>
    %eq3A_130 = arith.cmpi eq, %broadcast_in_dim3A_122, %eq3A_129 : vector<256x1xi32>
    %select_n3A_131 = arith.select %eq3A_130, %broadcast_in_dim3A_31, %broadcast_in_dim3A_122 : vector<256x1xi1>, vector<256x1xi32>
    %reduce_min3A_132 = arith.constant dense<2147483647> : vector<256xi32>
    %reduce_min3A_133 = vector.multi_reduction <minsi>, %select_n3A_127, %reduce_min3A_132 [1] : vector<256x4096xi32> to vector<256xi32>
    %broadcast_in_dim3A_134 = vector.shape_cast %reduce_min3A_133 : vector<256xi32> to vector<256x1xi32>
    %eq3A_135 = vector.broadcast %broadcast_in_dim3A_134 : vector<256x1xi32> to vector<256x4096xi32>
    %eq3A_136 = arith.cmpi eq, %select_n3A_127, %eq3A_135 : vector<256x4096xi32>
    %jit3A_137 = arith.constant 4096 : i32
    %broadcast_in_dim3A_138 = vector.broadcast %jit3A_137 : i32 to vector<256x4096xi32>
    %select_n3A_139 = arith.select %eq3A_136, %broadcast_in_dim3A_138, %select_n3A_127 : vector<256x4096xi1>, vector<256x4096xi32>
    %eq3A_140 = arith.constant 4096 : i32
    %eq3A_141 = vector.broadcast %eq3A_140 : i32 to vector<256x1xi32>
    %eq3A_142 = arith.cmpi eq, %broadcast_in_dim3A_134, %eq3A_141 : vector<256x1xi32>
    %select_n3A_143 = arith.select %eq3A_142, %broadcast_in_dim3A_31, %broadcast_in_dim3A_134 : vector<256x1xi1>, vector<256x1xi32>
    %reduce_min3A_144 = arith.constant dense<2147483647> : vector<256xi32>
    %reduce_min3A_145 = vector.multi_reduction <minsi>, %select_n3A_139, %reduce_min3A_144 [1] : vector<256x4096xi32> to vector<256xi32>
    %broadcast_in_dim3A_146 = vector.shape_cast %reduce_min3A_145 : vector<256xi32> to vector<256x1xi32>
    %eq3A_147 = vector.broadcast %broadcast_in_dim3A_146 : vector<256x1xi32> to vector<256x4096xi32>
    %eq3A_148 = arith.cmpi eq, %select_n3A_139, %eq3A_147 : vector<256x4096xi32>
    %jit3A_149 = arith.constant 4096 : i32
    %broadcast_in_dim3A_150 = vector.broadcast %jit3A_149 : i32 to vector<256x4096xi32>
    %select_n3A_151 = arith.select %eq3A_148, %broadcast_in_dim3A_150, %select_n3A_139 : vector<256x4096xi1>, vector<256x4096xi32>
    %eq3A_152 = arith.constant 4096 : i32
    %eq3A_153 = vector.broadcast %eq3A_152 : i32 to vector<256x1xi32>
    %eq3A_154 = arith.cmpi eq, %broadcast_in_dim3A_146, %eq3A_153 : vector<256x1xi32>
    %select_n3A_155 = arith.select %eq3A_154, %broadcast_in_dim3A_31, %broadcast_in_dim3A_146 : vector<256x1xi1>, vector<256x1xi32>
    %reduce_min3A_156 = arith.constant dense<2147483647> : vector<256xi32>
    %reduce_min3A_157 = vector.multi_reduction <minsi>, %select_n3A_151, %reduce_min3A_156 [1] : vector<256x4096xi32> to vector<256xi32>
    %broadcast_in_dim3A_158 = vector.shape_cast %reduce_min3A_157 : vector<256xi32> to vector<256x1xi32>
    %eq3A_159 = vector.broadcast %broadcast_in_dim3A_158 : vector<256x1xi32> to vector<256x4096xi32>
    %eq3A_160 = arith.cmpi eq, %select_n3A_151, %eq3A_159 : vector<256x4096xi32>
    %jit3A_161 = arith.constant 4096 : i32
    %broadcast_in_dim3A_162 = vector.broadcast %jit3A_161 : i32 to vector<256x4096xi32>
    %select_n3A_163 = arith.select %eq3A_160, %broadcast_in_dim3A_162, %select_n3A_151 : vector<256x4096xi1>, vector<256x4096xi32>
    %eq3A_164 = arith.constant 4096 : i32
    %eq3A_165 = vector.broadcast %eq3A_164 : i32 to vector<256x1xi32>
    %eq3A_166 = arith.cmpi eq, %broadcast_in_dim3A_158, %eq3A_165 : vector<256x1xi32>
    %select_n3A_167 = arith.select %eq3A_166, %broadcast_in_dim3A_31, %broadcast_in_dim3A_158 : vector<256x1xi1>, vector<256x1xi32>
    %reduce_min3A_168 = arith.constant dense<2147483647> : vector<256xi32>
    %reduce_min3A_169 = vector.multi_reduction <minsi>, %select_n3A_163, %reduce_min3A_168 [1] : vector<256x4096xi32> to vector<256xi32>
    %broadcast_in_dim3A_170 = vector.shape_cast %reduce_min3A_169 : vector<256xi32> to vector<256x1xi32>
    %eq3A_171 = vector.broadcast %broadcast_in_dim3A_170 : vector<256x1xi32> to vector<256x4096xi32>
    %eq3A_172 = arith.cmpi eq, %select_n3A_163, %eq3A_171 : vector<256x4096xi32>
    %jit3A_173 = arith.constant 4096 : i32
    %broadcast_in_dim3A_174 = vector.broadcast %jit3A_173 : i32 to vector<256x4096xi32>
    %select_n3A_175 = arith.select %eq3A_172, %broadcast_in_dim3A_174, %select_n3A_163 : vector<256x4096xi1>, vector<256x4096xi32>
    %eq3A_176 = arith.constant 4096 : i32
    %eq3A_177 = vector.broadcast %eq3A_176 : i32 to vector<256x1xi32>
    %eq3A_178 = arith.cmpi eq, %broadcast_in_dim3A_170, %eq3A_177 : vector<256x1xi32>
    %select_n3A_179 = arith.select %eq3A_178, %broadcast_in_dim3A_31, %broadcast_in_dim3A_170 : vector<256x1xi1>, vector<256x1xi32>
    %reduce_min3A_180 = arith.constant dense<2147483647> : vector<256xi32>
    %reduce_min3A_181 = vector.multi_reduction <minsi>, %select_n3A_175, %reduce_min3A_180 [1] : vector<256x4096xi32> to vector<256xi32>
    %broadcast_in_dim3A_182 = vector.shape_cast %reduce_min3A_181 : vector<256xi32> to vector<256x1xi32>
    %eq3A_183 = vector.broadcast %broadcast_in_dim3A_182 : vector<256x1xi32> to vector<256x4096xi32>
    %eq3A_184 = arith.cmpi eq, %select_n3A_175, %eq3A_183 : vector<256x4096xi32>
    %jit3A_185 = arith.constant 4096 : i32
    %broadcast_in_dim3A_186 = vector.broadcast %jit3A_185 : i32 to vector<256x4096xi32>
    %select_n3A_187 = arith.select %eq3A_184, %broadcast_in_dim3A_186, %select_n3A_175 : vector<256x4096xi1>, vector<256x4096xi32>
    %eq3A_188 = arith.constant 4096 : i32
    %eq3A_189 = vector.broadcast %eq3A_188 : i32 to vector<256x1xi32>
    %eq3A_190 = arith.cmpi eq, %broadcast_in_dim3A_182, %eq3A_189 : vector<256x1xi32>
    %select_n3A_191 = arith.select %eq3A_190, %broadcast_in_dim3A_31, %broadcast_in_dim3A_182 : vector<256x1xi1>, vector<256x1xi32>
    %reduce_min3A_192 = arith.constant dense<2147483647> : vector<256xi32>
    %reduce_min3A_193 = vector.multi_reduction <minsi>, %select_n3A_187, %reduce_min3A_192 [1] : vector<256x4096xi32> to vector<256xi32>
    %broadcast_in_dim3A_194 = vector.shape_cast %reduce_min3A_193 : vector<256xi32> to vector<256x1xi32>
    %eq3A_195 = vector.broadcast %broadcast_in_dim3A_194 : vector<256x1xi32> to vector<256x4096xi32>
    %eq3A_196 = arith.cmpi eq, %select_n3A_187, %eq3A_195 : vector<256x4096xi32>
    %jit3A_197 = arith.constant 4096 : i32
    %broadcast_in_dim3A_198 = vector.broadcast %jit3A_197 : i32 to vector<256x4096xi32>
    %select_n3A_199 = arith.select %eq3A_196, %broadcast_in_dim3A_198, %select_n3A_187 : vector<256x4096xi1>, vector<256x4096xi32>
    %eq3A_200 = arith.constant 4096 : i32
    %eq3A_201 = vector.broadcast %eq3A_200 : i32 to vector<256x1xi32>
    %eq3A_202 = arith.cmpi eq, %broadcast_in_dim3A_194, %eq3A_201 : vector<256x1xi32>
    %select_n3A_203 = arith.select %eq3A_202, %broadcast_in_dim3A_31, %broadcast_in_dim3A_194 : vector<256x1xi1>, vector<256x1xi32>
    %reduce_min3A_204 = arith.constant dense<2147483647> : vector<256xi32>
    %reduce_min3A_205 = vector.multi_reduction <minsi>, %select_n3A_199, %reduce_min3A_204 [1] : vector<256x4096xi32> to vector<256xi32>
    %broadcast_in_dim3A_206 = vector.shape_cast %reduce_min3A_205 : vector<256xi32> to vector<256x1xi32>
    %eq3A_207 = vector.broadcast %broadcast_in_dim3A_206 : vector<256x1xi32> to vector<256x4096xi32>
    %eq3A_208 = arith.cmpi eq, %select_n3A_199, %eq3A_207 : vector<256x4096xi32>
    %jit3A_209 = arith.constant 4096 : i32
    %broadcast_in_dim3A_210 = vector.broadcast %jit3A_209 : i32 to vector<256x4096xi32>
    %select_n3A_211 = arith.select %eq3A_208, %broadcast_in_dim3A_210, %select_n3A_199 : vector<256x4096xi1>, vector<256x4096xi32>
    %eq3A_212 = arith.constant 4096 : i32
    %eq3A_213 = vector.broadcast %eq3A_212 : i32 to vector<256x1xi32>
    %eq3A_214 = arith.cmpi eq, %broadcast_in_dim3A_206, %eq3A_213 : vector<256x1xi32>
    %select_n3A_215 = arith.select %eq3A_214, %broadcast_in_dim3A_31, %broadcast_in_dim3A_206 : vector<256x1xi1>, vector<256x1xi32>
    %reduce_min3A_216 = arith.constant dense<2147483647> : vector<256xi32>
    %reduce_min3A_217 = vector.multi_reduction <minsi>, %select_n3A_211, %reduce_min3A_216 [1] : vector<256x4096xi32> to vector<256xi32>
    %broadcast_in_dim3A_218 = vector.shape_cast %reduce_min3A_217 : vector<256xi32> to vector<256x1xi32>
    %eq3A_219 = vector.broadcast %broadcast_in_dim3A_218 : vector<256x1xi32> to vector<256x4096xi32>
    %eq3A_220 = arith.cmpi eq, %select_n3A_211, %eq3A_219 : vector<256x4096xi32>
    %jit3A_221 = arith.constant 4096 : i32
    %broadcast_in_dim3A_222 = vector.broadcast %jit3A_221 : i32 to vector<256x4096xi32>
    %select_n3A_223 = arith.select %eq3A_220, %broadcast_in_dim3A_222, %select_n3A_211 : vector<256x4096xi1>, vector<256x4096xi32>
    %eq3A_224 = arith.constant 4096 : i32
    %eq3A_225 = vector.broadcast %eq3A_224 : i32 to vector<256x1xi32>
    %eq3A_226 = arith.cmpi eq, %broadcast_in_dim3A_218, %eq3A_225 : vector<256x1xi32>
    %select_n3A_227 = arith.select %eq3A_226, %broadcast_in_dim3A_31, %broadcast_in_dim3A_218 : vector<256x1xi1>, vector<256x1xi32>
    %reduce_min3A_228 = arith.constant dense<2147483647> : vector<256xi32>
    %reduce_min3A_229 = vector.multi_reduction <minsi>, %select_n3A_223, %reduce_min3A_228 [1] : vector<256x4096xi32> to vector<256xi32>
    %broadcast_in_dim3A_230 = vector.shape_cast %reduce_min3A_229 : vector<256xi32> to vector<256x1xi32>
    %eq3A_231 = vector.broadcast %broadcast_in_dim3A_230 : vector<256x1xi32> to vector<256x4096xi32>
    %eq3A_232 = arith.cmpi eq, %select_n3A_223, %eq3A_231 : vector<256x4096xi32>
    %jit3A_233 = arith.constant 4096 : i32
    %broadcast_in_dim3A_234 = vector.broadcast %jit3A_233 : i32 to vector<256x4096xi32>
    %select_n3A_235 = arith.select %eq3A_232, %broadcast_in_dim3A_234, %select_n3A_223 : vector<256x4096xi1>, vector<256x4096xi32>
    %eq3A_236 = arith.constant 4096 : i32
    %eq3A_237 = vector.broadcast %eq3A_236 : i32 to vector<256x1xi32>
    %eq3A_238 = arith.cmpi eq, %broadcast_in_dim3A_230, %eq3A_237 : vector<256x1xi32>
    %select_n3A_239 = arith.select %eq3A_238, %broadcast_in_dim3A_31, %broadcast_in_dim3A_230 : vector<256x1xi1>, vector<256x1xi32>
    %reduce_min3A_240 = arith.constant dense<2147483647> : vector<256xi32>
    %reduce_min3A_241 = vector.multi_reduction <minsi>, %select_n3A_235, %reduce_min3A_240 [1] : vector<256x4096xi32> to vector<256xi32>
    %broadcast_in_dim3A_242 = vector.shape_cast %reduce_min3A_241 : vector<256xi32> to vector<256x1xi32>
    %eq3A_243 = vector.broadcast %broadcast_in_dim3A_242 : vector<256x1xi32> to vector<256x4096xi32>
    %eq3A_244 = arith.cmpi eq, %select_n3A_235, %eq3A_243 : vector<256x4096xi32>
    %jit3A_245 = arith.constant 4096 : i32
    %broadcast_in_dim3A_246 = vector.broadcast %jit3A_245 : i32 to vector<256x4096xi32>
    %select_n3A_247 = arith.select %eq3A_244, %broadcast_in_dim3A_246, %select_n3A_235 : vector<256x4096xi1>, vector<256x4096xi32>
    %eq3A_248 = arith.constant 4096 : i32
    %eq3A_249 = vector.broadcast %eq3A_248 : i32 to vector<256x1xi32>
    %eq3A_250 = arith.cmpi eq, %broadcast_in_dim3A_242, %eq3A_249 : vector<256x1xi32>
    %select_n3A_251 = arith.select %eq3A_250, %broadcast_in_dim3A_31, %broadcast_in_dim3A_242 : vector<256x1xi1>, vector<256x1xi32>
    %reduce_min3A_252 = arith.constant dense<2147483647> : vector<256xi32>
    %reduce_min3A_253 = vector.multi_reduction <minsi>, %select_n3A_247, %reduce_min3A_252 [1] : vector<256x4096xi32> to vector<256xi32>
    %broadcast_in_dim3A_254 = vector.shape_cast %reduce_min3A_253 : vector<256xi32> to vector<256x1xi32>
    %eq3A_255 = vector.broadcast %broadcast_in_dim3A_254 : vector<256x1xi32> to vector<256x4096xi32>
    %eq3A_256 = arith.cmpi eq, %select_n3A_247, %eq3A_255 : vector<256x4096xi32>
    %jit3A_257 = arith.constant 4096 : i32
    %broadcast_in_dim3A_258 = vector.broadcast %jit3A_257 : i32 to vector<256x4096xi32>
    %select_n3A_259 = arith.select %eq3A_256, %broadcast_in_dim3A_258, %select_n3A_247 : vector<256x4096xi1>, vector<256x4096xi32>
    %eq3A_260 = arith.constant 4096 : i32
    %eq3A_261 = vector.broadcast %eq3A_260 : i32 to vector<256x1xi32>
    %eq3A_262 = arith.cmpi eq, %broadcast_in_dim3A_254, %eq3A_261 : vector<256x1xi32>
    %select_n3A_263 = arith.select %eq3A_262, %broadcast_in_dim3A_31, %broadcast_in_dim3A_254 : vector<256x1xi1>, vector<256x1xi32>
    %reduce_min3A_264 = arith.constant dense<2147483647> : vector<256xi32>
    %reduce_min3A_265 = vector.multi_reduction <minsi>, %select_n3A_259, %reduce_min3A_264 [1] : vector<256x4096xi32> to vector<256xi32>
    %broadcast_in_dim3A_266 = vector.shape_cast %reduce_min3A_265 : vector<256xi32> to vector<256x1xi32>
    %eq3A_267 = vector.broadcast %broadcast_in_dim3A_266 : vector<256x1xi32> to vector<256x4096xi32>
    %eq3A_268 = arith.cmpi eq, %select_n3A_259, %eq3A_267 : vector<256x4096xi32>
    %jit3A_269 = arith.constant 4096 : i32
    %broadcast_in_dim3A_270 = vector.broadcast %jit3A_269 : i32 to vector<256x4096xi32>
    %select_n3A_271 = arith.select %eq3A_268, %broadcast_in_dim3A_270, %select_n3A_259 : vector<256x4096xi1>, vector<256x4096xi32>
    %eq3A_272 = arith.constant 4096 : i32
    %eq3A_273 = vector.broadcast %eq3A_272 : i32 to vector<256x1xi32>
    %eq3A_274 = arith.cmpi eq, %broadcast_in_dim3A_266, %eq3A_273 : vector<256x1xi32>
    %select_n3A_275 = arith.select %eq3A_274, %broadcast_in_dim3A_31, %broadcast_in_dim3A_266 : vector<256x1xi1>, vector<256x1xi32>
    %reduce_min3A_276 = arith.constant dense<2147483647> : vector<256xi32>
    %reduce_min3A_277 = vector.multi_reduction <minsi>, %select_n3A_271, %reduce_min3A_276 [1] : vector<256x4096xi32> to vector<256xi32>
    %broadcast_in_dim3A_278 = vector.shape_cast %reduce_min3A_277 : vector<256xi32> to vector<256x1xi32>
    %eq3A_279 = vector.broadcast %broadcast_in_dim3A_278 : vector<256x1xi32> to vector<256x4096xi32>
    %eq3A_280 = arith.cmpi eq, %select_n3A_271, %eq3A_279 : vector<256x4096xi32>
    %jit3A_281 = arith.constant 4096 : i32
    %broadcast_in_dim3A_282 = vector.broadcast %jit3A_281 : i32 to vector<256x4096xi32>
    %select_n3A_283 = arith.select %eq3A_280, %broadcast_in_dim3A_282, %select_n3A_271 : vector<256x4096xi1>, vector<256x4096xi32>
    %eq3A_284 = arith.constant 4096 : i32
    %eq3A_285 = vector.broadcast %eq3A_284 : i32 to vector<256x1xi32>
    %eq3A_286 = arith.cmpi eq, %broadcast_in_dim3A_278, %eq3A_285 : vector<256x1xi32>
    %select_n3A_287 = arith.select %eq3A_286, %broadcast_in_dim3A_31, %broadcast_in_dim3A_278 : vector<256x1xi1>, vector<256x1xi32>
    %reduce_min3A_288 = arith.constant dense<2147483647> : vector<256xi32>
    %reduce_min3A_289 = vector.multi_reduction <minsi>, %select_n3A_283, %reduce_min3A_288 [1] : vector<256x4096xi32> to vector<256xi32>
    %broadcast_in_dim3A_290 = vector.shape_cast %reduce_min3A_289 : vector<256xi32> to vector<256x1xi32>
    %eq3A_291 = vector.broadcast %broadcast_in_dim3A_290 : vector<256x1xi32> to vector<256x4096xi32>
    %eq3A_292 = arith.cmpi eq, %select_n3A_283, %eq3A_291 : vector<256x4096xi32>
    %jit3A_293 = arith.constant 4096 : i32
    %broadcast_in_dim3A_294 = vector.broadcast %jit3A_293 : i32 to vector<256x4096xi32>
    %select_n3A_295 = arith.select %eq3A_292, %broadcast_in_dim3A_294, %select_n3A_283 : vector<256x4096xi1>, vector<256x4096xi32>
    %eq3A_296 = arith.constant 4096 : i32
    %eq3A_297 = vector.broadcast %eq3A_296 : i32 to vector<256x1xi32>
    %eq3A_298 = arith.cmpi eq, %broadcast_in_dim3A_290, %eq3A_297 : vector<256x1xi32>
    %select_n3A_299 = arith.select %eq3A_298, %broadcast_in_dim3A_31, %broadcast_in_dim3A_290 : vector<256x1xi1>, vector<256x1xi32>
    %reduce_min3A_300 = arith.constant dense<2147483647> : vector<256xi32>
    %reduce_min3A_301 = vector.multi_reduction <minsi>, %select_n3A_295, %reduce_min3A_300 [1] : vector<256x4096xi32> to vector<256xi32>
    %broadcast_in_dim3A_302 = vector.shape_cast %reduce_min3A_301 : vector<256xi32> to vector<256x1xi32>
    %eq3A_303 = vector.broadcast %broadcast_in_dim3A_302 : vector<256x1xi32> to vector<256x4096xi32>
    %eq3A_304 = arith.cmpi eq, %select_n3A_295, %eq3A_303 : vector<256x4096xi32>
    %jit3A_305 = arith.constant 4096 : i32
    %broadcast_in_dim3A_306 = vector.broadcast %jit3A_305 : i32 to vector<256x4096xi32>
    %select_n3A_307 = arith.select %eq3A_304, %broadcast_in_dim3A_306, %select_n3A_295 : vector<256x4096xi1>, vector<256x4096xi32>
    %eq3A_308 = arith.constant 4096 : i32
    %eq3A_309 = vector.broadcast %eq3A_308 : i32 to vector<256x1xi32>
    %eq3A_310 = arith.cmpi eq, %broadcast_in_dim3A_302, %eq3A_309 : vector<256x1xi32>
    %select_n3A_311 = arith.select %eq3A_310, %broadcast_in_dim3A_31, %broadcast_in_dim3A_302 : vector<256x1xi1>, vector<256x1xi32>
    %reduce_min3A_312 = arith.constant dense<2147483647> : vector<256xi32>
    %reduce_min3A_313 = vector.multi_reduction <minsi>, %select_n3A_307, %reduce_min3A_312 [1] : vector<256x4096xi32> to vector<256xi32>
    %broadcast_in_dim3A_314 = vector.shape_cast %reduce_min3A_313 : vector<256xi32> to vector<256x1xi32>
    %eq3A_315 = vector.broadcast %broadcast_in_dim3A_314 : vector<256x1xi32> to vector<256x4096xi32>
    %eq3A_316 = arith.cmpi eq, %select_n3A_307, %eq3A_315 : vector<256x4096xi32>
    %jit3A_317 = arith.constant 4096 : i32
    %broadcast_in_dim3A_318 = vector.broadcast %jit3A_317 : i32 to vector<256x4096xi32>
    %select_n3A_319 = arith.select %eq3A_316, %broadcast_in_dim3A_318, %select_n3A_307 : vector<256x4096xi1>, vector<256x4096xi32>
    %eq3A_320 = arith.constant 4096 : i32
    %eq3A_321 = vector.broadcast %eq3A_320 : i32 to vector<256x1xi32>
    %eq3A_322 = arith.cmpi eq, %broadcast_in_dim3A_314, %eq3A_321 : vector<256x1xi32>
    %select_n3A_323 = arith.select %eq3A_322, %broadcast_in_dim3A_31, %broadcast_in_dim3A_314 : vector<256x1xi1>, vector<256x1xi32>
    %reduce_min3A_324 = arith.constant dense<2147483647> : vector<256xi32>
    %reduce_min3A_325 = vector.multi_reduction <minsi>, %select_n3A_319, %reduce_min3A_324 [1] : vector<256x4096xi32> to vector<256xi32>
    %broadcast_in_dim3A_326 = vector.shape_cast %reduce_min3A_325 : vector<256xi32> to vector<256x1xi32>
    %eq3A_327 = vector.broadcast %broadcast_in_dim3A_326 : vector<256x1xi32> to vector<256x4096xi32>
    %eq3A_328 = arith.cmpi eq, %select_n3A_319, %eq3A_327 : vector<256x4096xi32>
    %jit3A_329 = arith.constant 4096 : i32
    %broadcast_in_dim3A_330 = vector.broadcast %jit3A_329 : i32 to vector<256x4096xi32>
    %select_n3A_331 = arith.select %eq3A_328, %broadcast_in_dim3A_330, %select_n3A_319 : vector<256x4096xi1>, vector<256x4096xi32>
    %eq3A_332 = arith.constant 4096 : i32
    %eq3A_333 = vector.broadcast %eq3A_332 : i32 to vector<256x1xi32>
    %eq3A_334 = arith.cmpi eq, %broadcast_in_dim3A_326, %eq3A_333 : vector<256x1xi32>
    %select_n3A_335 = arith.select %eq3A_334, %broadcast_in_dim3A_31, %broadcast_in_dim3A_326 : vector<256x1xi1>, vector<256x1xi32>
    %reduce_min3A_336 = arith.constant dense<2147483647> : vector<256xi32>
    %reduce_min3A_337 = vector.multi_reduction <minsi>, %select_n3A_331, %reduce_min3A_336 [1] : vector<256x4096xi32> to vector<256xi32>
    %broadcast_in_dim3A_338 = vector.shape_cast %reduce_min3A_337 : vector<256xi32> to vector<256x1xi32>
    %eq3A_339 = vector.broadcast %broadcast_in_dim3A_338 : vector<256x1xi32> to vector<256x4096xi32>
    %eq3A_340 = arith.cmpi eq, %select_n3A_331, %eq3A_339 : vector<256x4096xi32>
    %jit3A_341 = arith.constant 4096 : i32
    %broadcast_in_dim3A_342 = vector.broadcast %jit3A_341 : i32 to vector<256x4096xi32>
    %select_n3A_343 = arith.select %eq3A_340, %broadcast_in_dim3A_342, %select_n3A_331 : vector<256x4096xi1>, vector<256x4096xi32>
    %eq3A_344 = arith.constant 4096 : i32
    %eq3A_345 = vector.broadcast %eq3A_344 : i32 to vector<256x1xi32>
    %eq3A_346 = arith.cmpi eq, %broadcast_in_dim3A_338, %eq3A_345 : vector<256x1xi32>
    %select_n3A_347 = arith.select %eq3A_346, %broadcast_in_dim3A_31, %broadcast_in_dim3A_338 : vector<256x1xi1>, vector<256x1xi32>
    %reduce_min3A_348 = arith.constant dense<2147483647> : vector<256xi32>
    %reduce_min3A_349 = vector.multi_reduction <minsi>, %select_n3A_343, %reduce_min3A_348 [1] : vector<256x4096xi32> to vector<256xi32>
    %broadcast_in_dim3A_350 = vector.shape_cast %reduce_min3A_349 : vector<256xi32> to vector<256x1xi32>
    %eq3A_351 = vector.broadcast %broadcast_in_dim3A_350 : vector<256x1xi32> to vector<256x4096xi32>
    %eq3A_352 = arith.cmpi eq, %select_n3A_343, %eq3A_351 : vector<256x4096xi32>
    %jit3A_353 = arith.constant 4096 : i32
    %broadcast_in_dim3A_354 = vector.broadcast %jit3A_353 : i32 to vector<256x4096xi32>
    %select_n3A_355 = arith.select %eq3A_352, %broadcast_in_dim3A_354, %select_n3A_343 : vector<256x4096xi1>, vector<256x4096xi32>
    %eq3A_356 = arith.constant 4096 : i32
    %eq3A_357 = vector.broadcast %eq3A_356 : i32 to vector<256x1xi32>
    %eq3A_358 = arith.cmpi eq, %broadcast_in_dim3A_350, %eq3A_357 : vector<256x1xi32>
    %select_n3A_359 = arith.select %eq3A_358, %broadcast_in_dim3A_31, %broadcast_in_dim3A_350 : vector<256x1xi1>, vector<256x1xi32>
    %reduce_min3A_360 = arith.constant dense<2147483647> : vector<256xi32>
    %reduce_min3A_361 = vector.multi_reduction <minsi>, %select_n3A_355, %reduce_min3A_360 [1] : vector<256x4096xi32> to vector<256xi32>
    %broadcast_in_dim3A_362 = vector.shape_cast %reduce_min3A_361 : vector<256xi32> to vector<256x1xi32>
    %eq3A_363 = vector.broadcast %broadcast_in_dim3A_362 : vector<256x1xi32> to vector<256x4096xi32>
    %eq3A_364 = arith.cmpi eq, %select_n3A_355, %eq3A_363 : vector<256x4096xi32>
    %jit3A_365 = arith.constant 4096 : i32
    %broadcast_in_dim3A_366 = vector.broadcast %jit3A_365 : i32 to vector<256x4096xi32>
    %select_n3A_367 = arith.select %eq3A_364, %broadcast_in_dim3A_366, %select_n3A_355 : vector<256x4096xi1>, vector<256x4096xi32>
    %eq3A_368 = arith.constant 4096 : i32
    %eq3A_369 = vector.broadcast %eq3A_368 : i32 to vector<256x1xi32>
    %eq3A_370 = arith.cmpi eq, %broadcast_in_dim3A_362, %eq3A_369 : vector<256x1xi32>
    %select_n3A_371 = arith.select %eq3A_370, %broadcast_in_dim3A_31, %broadcast_in_dim3A_362 : vector<256x1xi1>, vector<256x1xi32>
    %reduce_min3A_372 = arith.constant dense<2147483647> : vector<256xi32>
    %reduce_min3A_373 = vector.multi_reduction <minsi>, %select_n3A_367, %reduce_min3A_372 [1] : vector<256x4096xi32> to vector<256xi32>
    %broadcast_in_dim3A_374 = vector.shape_cast %reduce_min3A_373 : vector<256xi32> to vector<256x1xi32>
    %eq3A_375 = vector.broadcast %broadcast_in_dim3A_374 : vector<256x1xi32> to vector<256x4096xi32>
    %eq3A_376 = arith.cmpi eq, %select_n3A_367, %eq3A_375 : vector<256x4096xi32>
    %jit3A_377 = arith.constant 4096 : i32
    %broadcast_in_dim3A_378 = vector.broadcast %jit3A_377 : i32 to vector<256x4096xi32>
    %select_n3A_379 = arith.select %eq3A_376, %broadcast_in_dim3A_378, %select_n3A_367 : vector<256x4096xi1>, vector<256x4096xi32>
    %eq3A_380 = arith.constant 4096 : i32
    %eq3A_381 = vector.broadcast %eq3A_380 : i32 to vector<256x1xi32>
    %eq3A_382 = arith.cmpi eq, %broadcast_in_dim3A_374, %eq3A_381 : vector<256x1xi32>
    %select_n3A_383 = arith.select %eq3A_382, %broadcast_in_dim3A_31, %broadcast_in_dim3A_374 : vector<256x1xi1>, vector<256x1xi32>
    %reduce_min3A_384 = arith.constant dense<2147483647> : vector<256xi32>
    %reduce_min3A_385 = vector.multi_reduction <minsi>, %select_n3A_379, %reduce_min3A_384 [1] : vector<256x4096xi32> to vector<256xi32>
    %broadcast_in_dim3A_386 = vector.shape_cast %reduce_min3A_385 : vector<256xi32> to vector<256x1xi32>
    %eq3A_387 = vector.broadcast %broadcast_in_dim3A_386 : vector<256x1xi32> to vector<256x4096xi32>
    %eq3A_388 = arith.cmpi eq, %select_n3A_379, %eq3A_387 : vector<256x4096xi32>
    %jit3A_389 = arith.constant 4096 : i32
    %broadcast_in_dim3A_390 = vector.broadcast %jit3A_389 : i32 to vector<256x4096xi32>
    %select_n3A_391 = arith.select %eq3A_388, %broadcast_in_dim3A_390, %select_n3A_379 : vector<256x4096xi1>, vector<256x4096xi32>
    %eq3A_392 = arith.constant 4096 : i32
    %eq3A_393 = vector.broadcast %eq3A_392 : i32 to vector<256x1xi32>
    %eq3A_394 = arith.cmpi eq, %broadcast_in_dim3A_386, %eq3A_393 : vector<256x1xi32>
    %select_n3A_395 = arith.select %eq3A_394, %broadcast_in_dim3A_31, %broadcast_in_dim3A_386 : vector<256x1xi1>, vector<256x1xi32>
    %reduce_min3A_396 = arith.constant dense<2147483647> : vector<256xi32>
    %reduce_min3A_397 = vector.multi_reduction <minsi>, %select_n3A_391, %reduce_min3A_396 [1] : vector<256x4096xi32> to vector<256xi32>
    %broadcast_in_dim3A_398 = vector.shape_cast %reduce_min3A_397 : vector<256xi32> to vector<256x1xi32>
    %eq3A_399 = arith.constant 4096 : i32
    %eq3A_400 = vector.broadcast %eq3A_399 : i32 to vector<256x1xi32>
    %eq3A_401 = arith.cmpi eq, %broadcast_in_dim3A_398, %eq3A_400 : vector<256x1xi32>
    %select_n3A_402 = arith.select %eq3A_401, %broadcast_in_dim3A_31, %broadcast_in_dim3A_398 : vector<256x1xi1>, vector<256x1xi32>
    %concatenate3A = tpu.concatenate %broadcast_in_dim3A_31, %select_n3A_47, %select_n3A_59, %select_n3A_71, %select_n3A_83, %select_n3A_95, %select_n3A_107, %select_n3A_119, %select_n3A_131, %select_n3A_143, %select_n3A_155, %select_n3A_167, %select_n3A_179, %select_n3A_191, %select_n3A_203, %select_n3A_215, %select_n3A_227, %select_n3A_239, %select_n3A_251, %select_n3A_263, %select_n3A_275, %select_n3A_287, %select_n3A_299, %select_n3A_311, %select_n3A_323, %select_n3A_335, %select_n3A_347, %select_n3A_359, %select_n3A_371, %select_n3A_383, %select_n3A_395, %select_n3A_402 in 1 : vector<256x1xi32>, vector<256x1xi32>, vector<256x1xi32>, vector<256x1xi32>, vector<256x1xi32>, vector<256x1xi32>, vector<256x1xi32>, vector<256x1xi32>, vector<256x1xi32>, vector<256x1xi32>, vector<256x1xi32>, vector<256x1xi32>, vector<256x1xi32>, vector<256x1xi32>, vector<256x1xi32>, vector<256x1xi32>, vector<256x1xi32>, vector<256x1xi32>, vector<256x1xi32>, vector<256x1xi32>, vector<256x1xi32>, vector<256x1xi32>, vector<256x1xi32>, vector<256x1xi32>, vector<256x1xi32>, vector<256x1xi32>, vector<256x1xi32>, vector<256x1xi32>, vector<256x1xi32>, vector<256x1xi32>, vector<256x1xi32>, vector<256x1xi32> -> vector<256x32xi32>
    %swap3A = arith.constant 0 : index
    %swap3A_403 = arith.constant 0 : index
    %swap3A_404 = arith.constant 0 : index
    %swap3A_405 = vector.load %arg4[%swap3A, %swap3A_403, %swap3A_404] : memref<1x256x32xi32, #tpu.memory_space<vmem>>, vector<1x256x32xi32>
    %swap3A_406 = vector.shape_cast %swap3A_405 : vector<1x256x32xi32> to vector<256x32xi32>
    %swap3A_407 = vector.shape_cast %concatenate3A : vector<256x32xi32> to vector<1x256x32xi32>
    tpu.vector_store %arg4[%swap3A, %swap3A_403, %swap3A_404], %swap3A_407 {strides = array<i32>} : memref<1x256x32xi32, #tpu.memory_space<vmem>>, vector<1x256x32xi32>,
    return
  }
  func.func @transform_0(%arg0: i32, %arg1: i32) -> (i32, i32, i32) {
    %c0_i32 = arith.constant 0 : i32
    %c0_i32_0 = arith.constant 0 : i32
    %c0_i32_1 = arith.constant 0 : i32
    return %arg0, %c0_i32, %c0_i32_0 : i32, i32, i32
  }
  func.func @transform_1(%arg0: i32, %arg1: i32) -> (i32, i32, i32) {
    %c0_i32 = arith.constant 0 : i32
    %c0_i32_0 = arith.constant 0 : i32
    %c0_i32_1 = arith.constant 0 : i32
    return %arg0, %c0_i32, %c0_i32_0 : i32, i32, i32
  }
  func.func @transform_2(%arg0: i32, %arg1: i32) -> (i32, i32, i32) {
    %c0_i32 = arith.constant 0 : i32
    %c0_i32_0 = arith.constant 0 : i32
    return %arg0, %arg1, %c0_i32 : i32, i32, i32
  }
}

module attributes {stable_mosaic.version = 14 : i64} {
  func.func @_mlp_body(%arg0: i32, %arg1: i32, %arg2: memref<4096x48xf32, #tpu.memory_space<vmem>>, %arg3: memref<1x3x1024xf32, #tpu.memory_space<vmem>>, %arg4: memref<48x32xf32, #tpu.memory_space<vmem>>, %arg5: memref<32x32xf32, #tpu.memory_space<vmem>>, %arg6: memref<32x64xf32, #tpu.memory_space<vmem>>, %arg7: memref<1x32xf32, #tpu.memory_space<vmem>>, %arg8: memref<1x32xf32, #tpu.memory_space<vmem>>, %arg9: memref<1x64xf32, #tpu.memory_space<vmem>>, %arg10: memref<1x128x64xf32, #tpu.memory_space<vmem>>) attributes {dimension_semantics = [#tpu.dimension_semantics<arbitrary>, #tpu.dimension_semantics<arbitrary>], iteration_bounds = array<i64: 16, 8>, scalar_prefetch = 0 : i64, scratch_operands = 0 : i64, tpu.core_type = #tpu.core_type<tc>, window_params = [{transform_indices = @transform_0, window_bounds = array<i64: 4096, 48>}, {transform_indices = @transform_1, window_bounds = array<i64: 1, 3, 1024>}, {pipeline_mode = #tpu.pipeline_mode<synchronous>, transform_indices = @transform_2, window_bounds = array<i64: 48, 32>}, {pipeline_mode = #tpu.pipeline_mode<synchronous>, transform_indices = @transform_3, window_bounds = array<i64: 32, 32>}, {pipeline_mode = #tpu.pipeline_mode<synchronous>, transform_indices = @transform_4, window_bounds = array<i64: 32, 64>}, {pipeline_mode = #tpu.pipeline_mode<synchronous>, transform_indices = @transform_5, window_bounds = array<i64: 1, 32>}, {pipeline_mode = #tpu.pipeline_mode<synchronous>, transform_indices = @transform_6, window_bounds = array<i64: 1, 32>}, {pipeline_mode = #tpu.pipeline_mode<synchronous>, transform_indices = @transform_7, window_bounds = array<i64: 1, 64>}, {transform_indices = @transform_8, window_bounds = array<i64: 1, 128, 64>}]} {
    %get3A = arith.constant 0 : index
    %get3A_0 = arith.constant 0 : index
    %get3A_1 = vector.load %arg2[%get3A, %get3A_0] : memref<4096x48xf32, #tpu.memory_space<vmem>>, vector<4096x48xf32>
    %get3A_2 = arith.constant 0 : index
    %get3A_3 = arith.constant 0 : index
    %get3A_4 = vector.load %arg4[%get3A_2, %get3A_3] : memref<48x32xf32, #tpu.memory_space<vmem>>, vector<48x32xf32>
    %mul3A = arith.constant 128 : i32
    %mul3A_5 = arith.muli %arg1, %mul3A : i32
    %get3A_6 = arith.constant 0 : index
    %get3A_7 = arith.constant 0 : index
    %get3A_8 = arith.index_cast %mul3A_5 : i32 to index
    %get3A_9 = vector.load %arg3[%get3A_6, %get3A_7, %get3A_8] : memref<1x3x1024xf32, #tpu.memory_space<vmem>>, vector<1x3x128xf32>
    %get3A_10 = vector.shape_cast %get3A_9 : vector<1x3x128xf32> to vector<3x128xf32>
    %transpose3A = tpu.transpose %get3A_10, [1, 0] : vector<3x128xf32> -> vector<128x3xf32>
    %slice3A = vector.extract_strided_slice %get3A_4 {offsets = [0, 0], sizes = [3, 32], strides = [1, 1]} : vector<48x32xf32> to vector<3x32xf32>
    %dot_general3A = arith.constant dense<0.000000e+00> : vector<128x32xf32>
    %dot_general3A_11 = tpu.matmul %transpose3A, %slice3A, %dot_general3A {dimension_numbers = #tpu.dot_dimension_numbers<[1], [0], [0], [1], [0, 0, 1, 1], [], []>, transpose_lhs_hint = false} : vector<128x3xf32>, vector<3x32xf32>, vector<128x32xf32> -> vector<128x32xf32>
    %dot_general3A_12 = arith.constant dense<0.000000e+00> : vector<4096x32xf32>
    %dot_general3A_13 = tpu.matmul %get3A_1, %get3A_4, %dot_general3A_12 {dimension_numbers = #tpu.dot_dimension_numbers<[1], [0], [0], [1], [0, 0, 1, 1], [], []>, transpose_lhs_hint = false} : vector<4096x48xf32>, vector<48x32xf32>, vector<4096x32xf32> -> vector<4096x32xf32>
    %get3A_14 = arith.constant 0 : index
    %get3A_15 = arith.constant 0 : index
    %get3A_16 = vector.load %arg7[%get3A_14, %get3A_15] : memref<1x32xf32, #tpu.memory_space<vmem>>, vector<1x32xf32>
    %add3A = vector.broadcast %get3A_16 : vector<1x32xf32> to vector<4096x32xf32>
    %add3A_17 = arith.addf %dot_general3A_13, %add3A : vector<4096x32xf32>
    %reshape3A = vector.shape_cast %add3A_17 : vector<4096x32xf32> to vector<128x32x32xf32>
    %broadcast_in_dim3A = vector.shape_cast %dot_general3A_11 : vector<128x32xf32> to vector<128x1x32xf32>
    %sub3A = vector.broadcast %broadcast_in_dim3A : vector<128x1x32xf32> to vector<128x32x32xf32>
    %sub3A_18 = arith.subf %reshape3A, %sub3A : vector<128x32x32xf32>
    %max3A = arith.constant 0.000000e+00 : f32
    %max3A_19 = vector.broadcast %max3A : f32 to vector<128x32x32xf32>
    %max3A_20 = arith.maximumf %sub3A_18, %max3A_19 : vector<128x32x32xf32>
    %reshape3A_21 = vector.shape_cast %max3A_20 : vector<128x32x32xf32> to vector<4096x32xf32>
    %get3A_22 = arith.constant 0 : index
    %get3A_23 = arith.constant 0 : index
    %get3A_24 = vector.load %arg5[%get3A_22, %get3A_23] : memref<32x32xf32, #tpu.memory_space<vmem>>, vector<32x32xf32>
    %dot_general3A_25 = arith.constant dense<0.000000e+00> : vector<4096x32xf32>
    %dot_general3A_26 = tpu.matmul %reshape3A_21, %get3A_24, %dot_general3A_25 {dimension_numbers = #tpu.dot_dimension_numbers<[1], [0], [0], [1], [0, 0, 1, 1], [], []>, transpose_lhs_hint = false} : vector<4096x32xf32>, vector<32x32xf32>, vector<4096x32xf32> -> vector<4096x32xf32>
    %get3A_27 = arith.constant 0 : index
    %get3A_28 = arith.constant 0 : index
    %get3A_29 = vector.load %arg8[%get3A_27, %get3A_28] : memref<1x32xf32, #tpu.memory_space<vmem>>, vector<1x32xf32>
    %add3A_30 = vector.broadcast %get3A_29 : vector<1x32xf32> to vector<4096x32xf32>
    %add3A_31 = arith.addf %dot_general3A_26, %add3A_30 : vector<4096x32xf32>
    %max3A_32 = arith.constant 0.000000e+00 : f32
    %max3A_33 = vector.broadcast %max3A_32 : f32 to vector<4096x32xf32>
    %max3A_34 = arith.maximumf %add3A_31, %max3A_33 : vector<4096x32xf32>
    %get3A_35 = arith.constant 0 : index
    %get3A_36 = arith.constant 0 : index
    %get3A_37 = vector.load %arg6[%get3A_35, %get3A_36] : memref<32x64xf32, #tpu.memory_space<vmem>>, vector<32x64xf32>
    %dot_general3A_38 = arith.constant dense<0.000000e+00> : vector<4096x64xf32>
    %dot_general3A_39 = tpu.matmul %max3A_34, %get3A_37, %dot_general3A_38 {dimension_numbers = #tpu.dot_dimension_numbers<[1], [0], [0], [1], [0, 0, 1, 1], [], []>, transpose_lhs_hint = false} : vector<4096x32xf32>, vector<32x64xf32>, vector<4096x64xf32> -> vector<4096x64xf32>
    %get3A_40 = arith.constant 0 : index
    %get3A_41 = arith.constant 0 : index
    %get3A_42 = vector.load %arg9[%get3A_40, %get3A_41] : memref<1x64xf32, #tpu.memory_space<vmem>>, vector<1x64xf32>
    %add3A_43 = vector.broadcast %get3A_42 : vector<1x64xf32> to vector<4096x64xf32>
    %add3A_44 = arith.addf %dot_general3A_39, %add3A_43 : vector<4096x64xf32>
    %max3A_45 = arith.constant 0.000000e+00 : f32
    %max3A_46 = vector.broadcast %max3A_45 : f32 to vector<4096x64xf32>
    %max3A_47 = arith.maximumf %add3A_44, %max3A_46 : vector<4096x64xf32>
    %reshape3A_48 = vector.shape_cast %max3A_47 : vector<4096x64xf32> to vector<128x32x64xf32>
    %reduce_max3A = arith.constant dense<0xFF800000> : vector<128x64xf32>
    %reduce_max3A_49 = vector.multi_reduction <maximumf>, %reshape3A_48, %reduce_max3A [1] : vector<128x32x64xf32> to vector<128x64xf32>
    %swap3A = arith.constant 0 : index
    %swap3A_50 = arith.constant 0 : index
    %swap3A_51 = arith.constant 0 : index
    %swap3A_52 = vector.load %arg10[%swap3A, %swap3A_50, %swap3A_51] : memref<1x128x64xf32, #tpu.memory_space<vmem>>, vector<1x128x64xf32>
    %swap3A_53 = vector.shape_cast %swap3A_52 : vector<1x128x64xf32> to vector<128x64xf32>
    %swap3A_54 = vector.shape_cast %reduce_max3A_49 : vector<128x64xf32> to vector<1x128x64xf32>
    tpu.vector_store %arg10[%swap3A, %swap3A_50, %swap3A_51], %swap3A_54 {strides = array<i32>} : memref<1x128x64xf32, #tpu.memory_space<vmem>>, vector<1x128x64xf32>,
    return
  }
  func.func @transform_0(%arg0: i32, %arg1: i32) -> (i32, i32) {
    %mul3A = arith.constant 8 : i32
    %mul3A_0 = arith.muli %arg0, %mul3A : i32
    %add3A = arith.addi %mul3A_0, %arg1 : i32
    %c0_i32 = arith.constant 0 : i32
    %c0_i32_1 = arith.constant 0 : i32
    return %add3A, %c0_i32 : i32, i32
  }
  func.func @transform_1(%arg0: i32, %arg1: i32) -> (i32, i32, i32) {
    %c0_i32 = arith.constant 0 : i32
    %c0_i32_0 = arith.constant 0 : i32
    %c0_i32_1 = arith.constant 0 : i32
    return %arg0, %c0_i32, %c0_i32_0 : i32, i32, i32
  }
  func.func @transform_2(%arg0: i32, %arg1: i32) -> (i32, i32) {
    %c0_i32 = arith.constant 0 : i32
    %c0_i32_0 = arith.constant 0 : i32
    %c0_i32_1 = arith.constant 0 : i32
    return %c0_i32, %c0_i32_0 : i32, i32
  }
  func.func @transform_3(%arg0: i32, %arg1: i32) -> (i32, i32) {
    %c0_i32 = arith.constant 0 : i32
    %c0_i32_0 = arith.constant 0 : i32
    %c0_i32_1 = arith.constant 0 : i32
    return %c0_i32, %c0_i32_0 : i32, i32
  }
  func.func @transform_4(%arg0: i32, %arg1: i32) -> (i32, i32) {
    %c0_i32 = arith.constant 0 : i32
    %c0_i32_0 = arith.constant 0 : i32
    %c0_i32_1 = arith.constant 0 : i32
    return %c0_i32, %c0_i32_0 : i32, i32
  }
  func.func @transform_5(%arg0: i32, %arg1: i32) -> (i32, i32) {
    %c0_i32 = arith.constant 0 : i32
    %c0_i32_0 = arith.constant 0 : i32
    %c0_i32_1 = arith.constant 0 : i32
    return %c0_i32, %c0_i32_0 : i32, i32
  }
  func.func @transform_6(%arg0: i32, %arg1: i32) -> (i32, i32) {
    %c0_i32 = arith.constant 0 : i32
    %c0_i32_0 = arith.constant 0 : i32
    %c0_i32_1 = arith.constant 0 : i32
    return %c0_i32, %c0_i32_0 : i32, i32
  }
  func.func @transform_7(%arg0: i32, %arg1: i32) -> (i32, i32) {
    %c0_i32 = arith.constant 0 : i32
    %c0_i32_0 = arith.constant 0 : i32
    %c0_i32_1 = arith.constant 0 : i32
    return %c0_i32, %c0_i32_0 : i32, i32
  }
  func.func @transform_8(%arg0: i32, %arg1: i32) -> (i32, i32, i32) {
    %c0_i32 = arith.constant 0 : i32
    %c0_i32_0 = arith.constant 0 : i32
    return %arg0, %arg1, %c0_i32 : i32, i32, i32
  }
}

</mosaic_0001>

<sc_bundles>
// kernel: kernel.6.cloned.1.call-start
scs
__scs_entry_jumppad:
0x0: {  	(pc) =	sbr.rel $0x88, $3  }
0x1: {  	(tag) =	ssettag $0x0;
	lr =	simm.s32 $0x1  }
0x2: {  	[smem:$0x3F99] =	sst lr;
	_ =	strace $0xD0000000  }
0x3: {  	_ = 	snop  }
0x4: {  	_ = 	snop  }
0x5: {  	_ = 	snop  }
0x6: {  	_ = 	snop  }
0x7: {  	_ = 	snop  }
__scs_overlays_trampoline_lowered:
0x8: {  	[smem:$0x3FA8] =	sst s0  }
0x9: {  	[smem:$0x3FA9] =	sst s1  }
0xa: {  	[smem:$0x3FAA] =	sst s2  }
0xb: {  	[smem:$0x3FAB] =	sst s3  }
0xc: {  	[smem:$0x3FAC] =	sst s4  }
0xd: {  	[smem:$0x3FAD] =	sst s5  }
0xe: {  	[smem:$0x3FAE] =	sst s6  }
0xf: {  	[smem:$0x3FAF] =	sst s7  }
0x10: {  	[smem:$0x3FB0] =	sst s8  }
0x11: {  	[smem:$0x3FB1] =	sst s9;
	s0 =	simm.s32 @!p0 $0x0  }
0x12: {  	s1 =	sld [smem:$0x3F97];
	s0 =	simm.s32 @p0 $0x1  }
0x13: {  	[smem:$0x3FB2] =	sst s0;
	s0 =	simm.s32 @!p1 $0x0  }
0x14: {  	s2 =	sld [smem:$0x3F96];
	s0 =	simm.s32 @p1 $0x1  }
0x15: {  	[smem:$0x3FB3] =	sst s0;
	s0 =	simm.s32 @!p2 $0x0  }
0x16: {  	s3 =	sld [smem:$0x3FDB];
	s0 =	simm.s32 @p2 $0x1  }
0x17: {  	s4 =	simm.s32 $0x1BF5;
	[smem:$0x3FB5] =	sst s0  }
0x18: {  	s0 =	sld [smem:$0x3F98];
	_ =	swait.ge [sflag:s4], $0x0  }
0x19: {  	s7 =	sld [smem:$0x3F99]  }
0x1a: {  	s8 =	sadd.s32 $0xFFFFE003, lr  }
0x1b: {  	s9 =	sadd.s32 $0xFFFFFEF7, lr;
	s5 =	simm.s32 $0xFFFFFFFF;
	p2 =	slt.u32 s8, $0xFFFFF086  }
0x1c: {  	p1 =	slt.u32 s9, $0xF7A;
	s5 =	simm.s32 @!p2 $0x0  }
0x1d: {  	s5 =	simm.s32 @p1 $0x1;
	p0 =	seq.s32 s7, s2  }
0x1e: {  	s7 =	smul.u32 @!p0 $0xF7A, s2;
	p2 =	seq.s32 @!p0 s5, $0x0  }
0x1f: {  	s9 =	smul.u32 $0xF7A, s1;
	s8 =	simm.s32 @!p0 $0x1BF5;
	p2 =	por !p2, p0  }
0x20: {  	[sflag:s8] =	ssyncset.s32 @!p0 $0xFFFFF086;
	s6 =	sadd.s32 @!p0 s3, s7;
	s7 =	simm.s32 @!p0 $0x108  }
0x21: {  	s3 =	sadd.s32 s3, s9;
	s6 =	sadd.s32 @!p0 $0x88, s6;
	s7 =	simm.s32 @p2 $0x1082  }
0x22: {  	[simem:s7], [sflag:s8] =	dma.local @!p0 [hbm:s6], $0xF7A  }
0x23: {  	s9 =	sor.u32 $0xD0000000, s2;
	s6 =	simm.s32 $0x108;
	_ =	swait.ge @!p0 [sflag:s8], $0x0  }
0x24: {  	s3 =	sadd.s32 $0x88, s3;
	s6 =	simm.s32 @!p1 $0x1082;
	[sflag:s4] =	ssyncset.s32 $0xFFFFF086  }
0x25: {  	[simem:s6], [sflag:s4] =	dma.local [hbm:s3], $0xF7A  }
0x26: {  	[smem:$0x3F99] =	sst s1;
	(tag) =	ssettag s2;
	_ =	strace s9  }
0x27: {  	s1 =	sld [smem:$0x3FA9]  }
0x28: {  	s2 =	sld [smem:$0x3FAA]  }
0x29: {  	s4 =	sld [smem:$0x3FAC]  }
0x2a: {  	p0 =	seq.s32 s5, $0x0;
	s5 =	sld [smem:$0x3FAD]  }
0x2b: {  	s6 =	sld [smem:$0x3FAE]  }
0x2c: {  	s7 =	sld [smem:$0x3FAF]  }
0x2d: {  	s3 =	simm.s32 $0x108;
	s8 =	sld [smem:$0x3FB0]  }
0x2e: {  	s3 =	simm.s32 @!p0 $0x1082;
	s9 =	sld [smem:$0x3FB1]  }
0x2f: {  	lr =	sadd.s32 s0, s3;
	s0 =	sld [smem:$0x3FA8]  }
0x30: {  	s3 =	sld [smem:$0x3FAB]  }
0x31: {  	[smem:$0x3FB4] =	sst s10  }
0x32: {  	s10 =	sld [smem:$0x3FB2];
	_ =	sdelay $0x3  }
0x33: {  	p0 =	seq.s32 s10, $0x1;
	s10 =	sld [smem:$0x3FB4];
	_ =	sdelay $0x3  }
0x34: {  	[smem:$0x3FB4] =	sst s10  }
0x35: {  	s10 =	sld [smem:$0x3FB3];
	_ =	sdelay $0x3  }
0x36: {  	p1 =	seq.s32 s10, $0x1;
	s10 =	sld [smem:$0x3FB4];
	_ =	sdelay $0x3  }
0x37: {  	[smem:$0x3FB4] =	sst s10  }
0x38: {  	s10 =	sld [smem:$0x3FB5]  }
0x39: {  	_ = 	snop;
	(pc) =	sbr.ind lr, $3  }
0x3a: {  	_ = 	snop  }
0x3b: {  	_ = 	snop  }
0x3c: {  	p2 =	seq.s32 s10, $0x1;
	s10 =	sld [smem:$0x3FB4]  }
0x3d: {  	_ =	shalt  }
0x3e: {  	_ =	shalt  }
0x3f: {  	_ =	shalt  }
0x40: {  	_ =	shalt  }
0x41: {  	_ =	shalt  }
0x42: {  	_ =	shalt  }
0x43: {  	_ =	shalt  }
0x44: {  	_ =	shalt  }
0x45: {  	_ =	shalt  }
0x46: {  	_ =	shalt  }
0x47: {  	_ =	shalt  }
0x48: {  	_ =	shalt  }
0x49: {  	_ =	shalt  }
0x4a: {  	_ =	shalt  }
0x4b: {  	_ =	shalt  }
0x4c: {  	_ =	shalt  }
0x4d: {  	_ =	shalt  }
0x4e: {  	_ =	shalt  }
0x4f: {  	_ =	shalt  }
0x50: {  	_ =	shalt  }
0x51: {  	_ =	shalt  }
0x52: {  	_ =	shalt  }
0x53: {  	_ =	shalt  }
0x54: {  	_ =	shalt  }
0x55: {  	_ =	shalt  }
0x56: {  	_ =	shalt  }
0x57: {  	_ =	shalt  }
0x58: {  	_ =	shalt  }
0x59: {  	_ =	shalt  }
0x5a: {  	_ =	shalt  }
0x5b: {  	_ =	shalt  }
0x5c: {  	_ =	shalt  }
0x5d: {  	_ =	shalt  }
0x5e: {  	_ =	shalt  }
0x5f: {  	_ =	shalt  }
0x60: {  	_ =	shalt  }
0x61: {  	_ =	shalt  }
0x62: {  	_ =	shalt  }
0x63: {  	_ =	shalt  }
0x64: {  	_ =	shalt  }
0x65: {  	_ =	shalt  }
0x66: {  	_ =	shalt  }
0x67: {  	_ =	shalt  }
0x68: {  	_ =	shalt  }
0x69: {  	_ =	shalt  }
0x6a: {  	_ =	shalt  }
0x6b: {  	_ =	shalt  }
0x6c: {  	_ =	shalt  }
0x6d: {  	_ =	shalt  }
0x6e: {  	_ =	shalt  }
0x6f: {  	_ =	shalt  }
0x70: {  	_ =	shalt  }
0x71: {  	_ =	shalt  }
0x72: {  	_ =	shalt  }
0x73: {  	_ =	shalt  }
0x74: {  	_ =	shalt  }
0x75: {  	_ =	shalt  }
0x76: {  	_ =	shalt  }
0x77: {  	_ =	shalt  }
0x78: {  	_ =	shalt  }
0x79: {  	_ =	shalt  }
0x7a: {  	_ =	shalt  }
0x7b: {  	_ =	shalt  }
0x7c: {  	_ =	shalt  }
0x7d: {  	_ =	shalt  }
0x7e: {  	_ =	shalt  }
0x7f: {  	_ =	shalt  }
0x80: {  	_ =	shalt  }
0x81: {  	_ =	shalt  }
0x82: {  	_ =	shalt  }
0x83: {  	_ =	shalt  }
0x84: {  	_ =	shalt  }
0x85: {  	_ =	shalt  }
0x86: {  	_ =	shalt  }
0x87: {  	_ =	shalt  }
.Lfunc_end0:
.L_simem_size_0:
called_computation_lowered:
.L_overlay_start_0:
0x88: {  	s2 =	sld [smem:$0x3FD9]  }
0x89: {  	s3 =	sld [smem:$0x3FFE];
	_ =	sdelay $0x1  }
0x8a: {  	s1 =	srdreg.scid  }
0x8b: {  	s0 =	sand.u32 $0x1, s1  }
0x8c: {  	s14 =	sshll.u32 s0, $0xA;
	s2 =	sadd.s32 s3, s2  }
0x8d: {  	s2 =	sadd.s32 s2, s14  }
0x8e: {  	[smem:$0x3FC0] =	sst s2  }
0x8f: {  	_ = 	snop  }
0x90: {  	s2 =	sld [smem:$0x3FD0];
	_ =	sdelay $0x2  }
0x91: {  	s15 =	simm.s32 $0xA;
	s4 =	simm.s32 $0x10  }
0x92: {  	[smem:s4], [sflag:s15] =	dma.local [hbm:s2], $0x1  }
0x93: {  	_ =	swait.eq [sflag:s15], $0x1  }
0x94: {  	[sflag:s15] =	ssyncset.done $0x0  }
0x95: {  	[sflag:s15] =	ssyncadd.s32 $0xFFFFFFFF  }
0x96: {  	s16 =	sld [smem:$0x11];
	(tm) =	ssettm $0x1  }
0x97: {  	s17 =	sld [smem:$0x3FFB];
	_ =	sdelay $0x3  }
0x98: {  	_ =	strace s17  }
0x99: {  	s3 =	sld [smem:$0x3FFC];
	_ =	sdelay $0x3  }
0x9a: {  	_ =	strace s3  }
0x9b: {  	s3 =	sld [smem:$0x3FFD];
	_ =	sdelay $0x3  }
0x9c: {  	_ =	strace s3  }
0x9d: {  	_ =	strace $0x8FFFFFFF  }
0x9e: {  	s18 =	sld [smem:$0x3FDB];
	_ =	sdelay $0x1  }
0x9f: {  	s19 =	simm.s32 $_scs_section_size  }
0xa0: {  	s5 =	simm.s32 $_size__tile_overlayer_lowered;
	s6 =	simm.s32 $_tile_overlayer_lowered  }
0xa1: {  	s22 =	simm.s32 $0x1BFF;
	s21 =	sshll.u32 s6, $0x1;
	s3 =	sadd.s32 s19, s18  }
0xa2: {  	s7 =	simm.s32 $0x0;
	s20 =	sshll.u32 s5, $0x1;
	s5 =	sadd.s32 s21, s3  }
0xa3: {  	[timem:s7], [sflag:s22] =	dma.local [hbm:s5], s20  }
0xa4: {  	_ =	swait.ge [sflag:s22], s20  }
0xa5: {  	s4 =	ssub.s32 $0x0, s20;
	[sflag:s22] =	ssyncset.done $0x0  }
0xa6: {  	[sflag:s22] =	ssyncadd.s32 s4;
	_ =	sdelay $0x1  }
0xa7: {  	s23 =	simm.s32 $0x1B8B  }
0xa8: {  	_ =	swait.ge [sflag:s23], $0x1  }
0xa9: {  	[sflag:s23] =	ssyncset.done $0x0  }
0xaa: {  	s25 =	simm.s32 $0x1B8E;
	s24 =	sld [smem:$0x3FFE];
	[sflag:s23] =	ssyncadd.s32 $0xFFFFFFFF  }
0xab: {  	s26 =	simm.s32 $execute0_lowered;
	[smem:$0x3FD2] =	sst s25  }
0xac: {  	s5 =	sshll.u32 s26, $0x1;
	_ =	strace $0x80000046;
	[dreg:$0x1] =	wrdreg $0xFFFFFFFF  }
0xad: {  	s28 =	simm.s32 $_size_execute0_lowered;
	s3 =	sadd.s32 s3, s5;
	[dreg:$0x0] =	wrdreg $0x0  }
0xae: {  	s5 =	sshll.u32 s28, $0x1;
	[dreg:$0x2] =	wrdreg s3  }
0xaf: {  	[dreg:$0x3] =	wrdreg s5  }
0xb0: {  	[dreg:$0x4] =	wrdreg $0xC0  }
0xb1: {  	_ =	task [dreg:s7], $0x5FFFF  }
0xb2: {  	[dreg:$0x1] =	wrdreg $0xFFFFFFFF  }
0xb3: {  	[dreg:$0x0] =	wrdreg $0x60  }
0xb4: {  	[dreg:$0x2] =	wrdreg s24  }
0xb5: {  	[dreg:$0x3] =	wrdreg s16  }
0xb6: {  	[dreg:$0x4] =	wrdreg $0x9  }
0xb7: {  	_ =	task.clear_ibuf [dreg:s7], $0x5FFFF;
	_ =	strace $0x90000046  }
0xb8: {  	s29 =	simm.s32 $0x9;
	_ =	strace $0x80000048  }
0xb9: {  	_ =	swait.ge [sflag:s29], $0x1  }
0xba: {  	[sflag:s29] =	ssyncadd.s32 $0xFFFFFFFF  }
0xbb: {  	_ =	strace $0x90000048  }
0xbc: {  	_ =	sfence  }
0xbd: {  	s30 =	sld [smem:$0x0];
	_ =	sdelay $0x2  }
0xbe: {  	s31 =	sshll.u32 s1, $0xD;
	s1 =	sshrl.u32 s1, $0x2  }
0xbf: {  	s3 =	sand.u32 $0x4000, s31;
	s1 =	sadd.s32 s1, s30  }
0xc0: {  	s0 =	sor.u32 s3, s0;
	s1 =	sshll.u32 s1, $0x11  }
0xc1: {  	s0 =	sor.u32 s1, s0  }
0xc2: {  	s0 =	sadd.s32 $0x8F2B, s0  }
0xc3: {  	[sflag:s0] =	ssyncadd.remote.s32 $0x1  }
0xc4: {  	_ =	sfence.sel $0xFFFF  }
0xc5: {  	[dreg:$0x0] =	wrdreg $0xFFFFFFFF;
	(pc) =	sbr.abs _section_cstart, $3  }
0xc6: {  	[dreg:$0x1] =	wrdreg $0xFFFFFFFF  }
0xc7: {  	_ =	task.clear_ibuf [dreg:s7], $0x2FFFF;
	_ =	strace $0x9FFFFFFF  }
0xc8: {  	(tm) =	ssettm $0x7FFFFFFF  }
0xc9: {  	_ =	shalt  }
tec
execute0_lowered:
.L_overlay_start_1:
0x0: {  	(tag) =	ssettag $0x1  }
0x1: {  	s4 =	rddreg [dreg:$0x0];
	s0 =	srdreg.scid  }
0x2: {  	s30 =	rddreg [dreg:$0x1];
	s1 =	stileid.u32;
	s31 =	sand.u32 $0x1, s0  }
0x3: {  	s2 =	simm.s32 $0x0;
	s1 =	sshll.u32 s1, $0xF;
	s3 =	sshll.u32 s31, $0xE  }
0x4: {  	[smem:$0x7FF] =	sst s2;
	s0 =	sadd.s32 $0x163C00, s4;
	s1 =	sor.u32 s3, s1  }
0x5: {  	_ =	strace $0x80000047;
	s3 =	sshrl.u32 s1, $0x3;
	s5 =	smul.u32 $0x6, s1  }
0x6: {  	s6 =	sor.u32 $0x400, s1;
	s13 =	sor.u32 $0x800, s1;
	s3 =	sadd.s32 s30, s3  }
0x7: {  	s10 =	sshrl.u32 s6, $0x3;
	[dreg:$0x3] =	wrdreg s3;
	s9 =	sadd.s32 s0, s5  }
0x8: {  	s14 =	sshrl.u32 s13, $0x3;
	s11 =	sadd.s32 s30, s10;
	[dreg:$0x4] =	wrdreg s9  }
0x9: {  	s12 =	smul.u32 $0x6, s6;
	s15 =	sadd.s32 s30, s14;
	[dreg:$0x5] =	wrdreg s11  }
0xa: {  	s16 =	sor.u32 $0xC00, s1;
	s3 =	smul.u32 $0x6, s13;
	[dreg:$0x7] =	wrdreg s15  }
0xb: {  	s17 =	sshrl.u32 s16, $0x3;
	s5 =	sadd.s32 s0, s12;
	s18 =	rddreg [dreg:$0x3]  }
0xc: {  	[dreg:$0x6] =	wrdreg s5;
	s3 =	sadd.s32 s0, s3;
	s5 =	smul.u32 $0x6, s16  }
0xd: {  	[tilespmem:s2], [sflag:$0x2] =	stream.linear.gather [hbm4b:s18+s2], $0x400, $0x38;
	[tilespmem:$0xC400] =	vst v63  }
0xe: {  	[dreg:$0x8] =	wrdreg s3;
	s3 =	sadd.s32 s30, s17  }
0xf: {  	[dreg:$0x9] =	wrdreg s3;
	s19 =	sadd.s32 s0, s5  }
0x10: {  	s3 =	simm.s32 $0x2;
	[dreg:$0xa] =	wrdreg s19  }
0x11: {  	_ =	swait.ge [sflag:s3], $0x400  }
0x12: {  	s4 =	sadd.s32 $0x103C00, s4;
	[sflag:s3] =	ssyncset.done $0x0  }
0x13: {  	s6 =	simm.s32 $0x1;
	s5 =	simm.s32 $0x400;
	[sflag:s3] =	ssyncadd.s32 $0xFFFFFC00  }
0x14: {  	[tilespmem:s5], [sflag:$0x1] =	stream.indirect.gather [hbm4b:s4+s5], $0x30, s2, s5, $0xb8;
	[tilespmem:$0xC400] =	vst v63  }
0x15: {  	_ =	swait.ge [sflag:s6], $0xC000  }
0x16: {  	[sflag:s6] =	ssyncset.done $0x0  }
0x17: {  	s7 =	rddreg [dreg:$0x4];
	[sflag:s6] =	ssyncadd.s32 $0xFFFF4000  }
0x18: {  	[hbm4b:s7+s2] =	stream.linear.scatter [tilespmem:s5], [sflag:$0x2], $0xC000, $0x38;
	[tilespmem:$0xC400] =	vst v63  }
0x19: {  	_ =	swait.ge [sflag:s3], $0xC000  }
0x1a: {  	[sflag:s3] =	ssyncset.done $0x0  }
0x1b: {  	s20 =	rddreg [dreg:$0x5];
	[sflag:s3] =	ssyncadd.s32 $0xFFFF4000  }
0x1c: {  	[tilespmem:s2], [sflag:$0x2] =	stream.linear.gather [hbm4b:s20+s2], $0x400, $0x38;
	[tilespmem:$0xC400] =	vst v63  }
0x1d: {  	_ =	swait.ge [sflag:s3], $0x400  }
0x1e: {  	[sflag:s3] =	ssyncset.done $0x0  }
0x1f: {  	[sflag:s3] =	ssyncadd.s32 $0xFFFFFC00  }
0x20: {  	[tilespmem:s5], [sflag:$0x1] =	stream.indirect.gather [hbm4b:s4+s5], $0x30, s2, s5, $0xb8;
	[tilespmem:$0xC400] =	vst v63  }
0x21: {  	_ =	swait.ge [sflag:s6], $0xC000  }
0x22: {  	[sflag:s6] =	ssyncset.done $0x0  }
0x23: {  	s21 =	rddreg [dreg:$0x6];
	[sflag:s6] =	ssyncadd.s32 $0xFFFF4000  }
0x24: {  	[hbm4b:s21+s2] =	stream.linear.scatter [tilespmem:s5], [sflag:$0x2], $0xC000, $0x38;
	[tilespmem:$0xC400] =	vst v63  }
0x25: {  	_ =	swait.ge [sflag:s3], $0xC000  }
0x26: {  	[sflag:s3] =	ssyncset.done $0x0  }
0x27: {  	s22 =	rddreg [dreg:$0x7];
	[sflag:s3] =	ssyncadd.s32 $0xFFFF4000  }
0x28: {  	[tilespmem:s2], [sflag:$0x2] =	stream.linear.gather [hbm4b:s22+s2], $0x400, $0x38;
	[tilespmem:$0xC400] =	vst v63  }
0x29: {  	_ =	swait.ge [sflag:s3], $0x400  }
0x2a: {  	[sflag:s3] =	ssyncset.done $0x0  }
0x2b: {  	[sflag:s3] =	ssyncadd.s32 $0xFFFFFC00  }
0x2c: {  	[tilespmem:s5], [sflag:$0x1] =	stream.indirect.gather [hbm4b:s4+s5], $0x30, s2, s5, $0xb8;
	[tilespmem:$0xC400] =	vst v63  }
0x2d: {  	_ =	swait.ge [sflag:s6], $0xC000  }
0x2e: {  	[sflag:s6] =	ssyncset.done $0x0  }
0x2f: {  	s23 =	rddreg [dreg:$0x8];
	[sflag:s6] =	ssyncadd.s32 $0xFFFF4000  }
0x30: {  	[hbm4b:s23+s2] =	stream.linear.scatter [tilespmem:s5], [sflag:$0x2], $0xC000, $0x38;
	[tilespmem:$0xC400] =	vst v63  }
0x31: {  	_ =	swait.ge [sflag:s3], $0xC000  }
0x32: {  	[sflag:s3] =	ssyncset.done $0x0  }
0x33: {  	s24 =	rddreg [dreg:$0x9];
	[sflag:s3] =	ssyncadd.s32 $0xFFFF4000  }
0x34: {  	[tilespmem:s2], [sflag:$0x2] =	stream.linear.gather [hbm4b:s24+s2], $0x400, $0x38;
	[tilespmem:$0xC400] =	vst v63  }
0x35: {  	_ =	swait.ge [sflag:s3], $0x400  }
0x36: {  	[sflag:s3] =	ssyncset.done $0x0  }
0x37: {  	[sflag:s3] =	ssyncadd.s32 $0xFFFFFC00  }
0x38: {  	[tilespmem:s5], [sflag:$0x1] =	stream.indirect.gather [hbm4b:s4+s5], $0x30, s2, s5, $0xb8;
	[tilespmem:$0xC400] =	vst v63  }
0x39: {  	_ =	swait.ge [sflag:s6], $0xC000  }
0x3a: {  	[sflag:s6] =	ssyncset.done $0x0  }
0x3b: {  	s25 =	rddreg [dreg:$0xa];
	[sflag:s6] =	ssyncadd.s32 $0xFFFF4000  }
0x3c: {  	[hbm4b:s25+s2] =	stream.linear.scatter [tilespmem:s5], [sflag:$0x2], $0xC000, $0x38;
	[tilespmem:$0xC400] =	vst v63  }
0x3d: {  	s8 =	sor.u32 $0x1000, s1;
	_ =	swait.ge [sflag:s3], $0xC000  }
0x3e: {  	s26 =	sshrl.u32 s8, $0x3;
	[sflag:s3] =	ssyncset.done $0x0  }
0x3f: {  	s7 =	sadd.s32 s30, s26;
	[sflag:s3] =	ssyncadd.s32 $0xFFFF4000  }
0x40: {  	[tilespmem:s2], [sflag:$0x2] =	stream.linear.gather [hbm4b:s7+s2], $0x400, $0x38;
	[tilespmem:$0xC400] =	vst v63  }
0x41: {  	_ =	swait.ge [sflag:s3], $0x400  }
0x42: {  	[sflag:s3] =	ssyncset.done $0x0  }
0x43: {  	[sflag:s3] =	ssyncadd.s32 $0xFFFFFC00  }
0x44: {  	[tilespmem:s5], [sflag:$0x1] =	stream.indirect.gather [hbm4b:s4+s5], $0x30, s2, s5, $0xb8;
	[tilespmem:$0xC400] =	vst v63  }
0x45: {  	s8 =	smul.u32 $0x6, s8;
	_ =	swait.ge [sflag:s6], $0xC000  }
0x46: {  	[sflag:s6] =	ssyncset.done $0x0  }
0x47: {  	s8 =	sadd.s32 s0, s8;
	[sflag:s6] =	ssyncadd.s32 $0xFFFF4000  }
0x48: {  	[hbm4b:s8+s2] =	stream.linear.scatter [tilespmem:s5], [sflag:$0x2], $0xC000, $0x38;
	[tilespmem:$0xC400] =	vst v63  }
0x49: {  	s10 =	sor.u32 $0x1400, s1;
	_ =	swait.ge [sflag:s3], $0xC000  }
0x4a: {  	s9 =	sshrl.u32 s10, $0x3;
	[sflag:s3] =	ssyncset.done $0x0  }
0x4b: {  	s9 =	sadd.s32 s30, s9;
	[sflag:s3] =	ssyncadd.s32 $0xFFFF4000  }
0x4c: {  	[tilespmem:s2], [sflag:$0x2] =	stream.linear.gather [hbm4b:s9+s2], $0x400, $0x38;
	[tilespmem:$0xC400] =	vst v63  }
0x4d: {  	_ =	swait.ge [sflag:s3], $0x400  }
0x4e: {  	[sflag:s3] =	ssyncset.done $0x0  }
0x4f: {  	[sflag:s3] =	ssyncadd.s32 $0xFFFFFC00  }
0x50: {  	[tilespmem:s5], [sflag:$0x1] =	stream.indirect.gather [hbm4b:s4+s5], $0x30, s2, s5, $0xb8;
	[tilespmem:$0xC400] =	vst v63  }
0x51: {  	s10 =	smul.u32 $0x6, s10;
	_ =	swait.ge [sflag:s6], $0xC000  }
0x52: {  	[sflag:s6] =	ssyncset.done $0x0  }
0x53: {  	s10 =	sadd.s32 s0, s10;
	[sflag:s6] =	ssyncadd.s32 $0xFFFF4000  }
0x54: {  	[hbm4b:s10+s2] =	stream.linear.scatter [tilespmem:s5], [sflag:$0x2], $0xC000, $0x38;
	[tilespmem:$0xC400] =	vst v63  }
0x55: {  	s12 =	sor.u32 $0x1800, s1;
	_ =	swait.ge [sflag:s3], $0xC000  }
0x56: {  	s11 =	sshrl.u32 s12, $0x3;
	[sflag:s3] =	ssyncset.done $0x0  }
0x57: {  	s11 =	sadd.s32 s30, s11;
	[sflag:s3] =	ssyncadd.s32 $0xFFFF4000  }
0x58: {  	[tilespmem:s2], [sflag:$0x2] =	stream.linear.gather [hbm4b:s11+s2], $0x400, $0x38;
	[tilespmem:$0xC400] =	vst v63  }
0x59: {  	_ =	swait.ge [sflag:s3], $0x400  }
0x5a: {  	[sflag:s3] =	ssyncset.done $0x0  }
0x5b: {  	[sflag:s3] =	ssyncadd.s32 $0xFFFFFC00  }
0x5c: {  	[tilespmem:s5], [sflag:$0x1] =	stream.indirect.gather [hbm4b:s4+s5], $0x30, s2, s5, $0xb8;
	[tilespmem:$0xC400] =	vst v63  }
0x5d: {  	s12 =	smul.u32 $0x6, s12;
	_ =	swait.ge [sflag:s6], $0xC000  }
0x5e: {  	[sflag:s6] =	ssyncset.done $0x0  }
0x5f: {  	s12 =	sadd.s32 s0, s12;
	[sflag:s6] =	ssyncadd.s32 $0xFFFF4000  }
0x60: {  	[hbm4b:s12+s2] =	stream.linear.scatter [tilespmem:s5], [sflag:$0x2], $0xC000, $0x38;
	[tilespmem:$0xC400] =	vst v63  }
0x61: {  	s14 =	sor.u32 $0x1C00, s1;
	_ =	swait.ge [sflag:s3], $0xC000  }
0x62: {  	s13 =	sshrl.u32 s14, $0x3;
	[sflag:s3] =	ssyncset.done $0x0  }
0x63: {  	s13 =	sadd.s32 s30, s13;
	[sflag:s3] =	ssyncadd.s32 $0xFFFF4000  }
0x64: {  	[tilespmem:s2], [sflag:$0x2] =	stream.linear.gather [hbm4b:s13+s2], $0x400, $0x38;
	[tilespmem:$0xC400] =	vst v63  }
0x65: {  	_ =	swait.ge [sflag:s3], $0x400  }
0x66: {  	[sflag:s3] =	ssyncset.done $0x0  }
0x67: {  	[sflag:s3] =	ssyncadd.s32 $0xFFFFFC00  }
0x68: {  	[tilespmem:s5], [sflag:$0x1] =	stream.indirect.gather [hbm4b:s4+s5], $0x30, s2, s5, $0xb8;
	[tilespmem:$0xC400] =	vst v63  }
0x69: {  	s14 =	smul.u32 $0x6, s14;
	_ =	swait.ge [sflag:s6], $0xC000  }
0x6a: {  	[sflag:s6] =	ssyncset.done $0x0  }
0x6b: {  	s14 =	sadd.s32 s0, s14;
	[sflag:s6] =	ssyncadd.s32 $0xFFFF4000  }
0x6c: {  	[hbm4b:s14+s2] =	stream.linear.scatter [tilespmem:s5], [sflag:$0x2], $0xC000, $0x38;
	[tilespmem:$0xC400] =	vst v63  }
0x6d: {  	s16 =	sor.u32 $0x2000, s1;
	_ =	swait.ge [sflag:s3], $0xC000  }
0x6e: {  	s15 =	sshrl.u32 s16, $0x3;
	[sflag:s3] =	ssyncset.done $0x0  }
0x6f: {  	s15 =	sadd.s32 s30, s15;
	[sflag:s3] =	ssyncadd.s32 $0xFFFF4000  }
0x70: {  	[tilespmem:s2], [sflag:$0x2] =	stream.linear.gather [hbm4b:s15+s2], $0x400, $0x38;
	[tilespmem:$0xC400] =	vst v63  }
0x71: {  	_ =	swait.ge [sflag:s3], $0x400  }
0x72: {  	[sflag:s3] =	ssyncset.done $0x0  }
0x73: {  	[sflag:s3] =	ssyncadd.s32 $0xFFFFFC00  }
0x74: {  	[tilespmem:s5], [sflag:$0x1] =	stream.indirect.gather [hbm4b:s4+s5], $0x30, s2, s5, $0xb8;
	[tilespmem:$0xC400] =	vst v63  }
0x75: {  	s16 =	smul.u32 $0x6, s16;
	_ =	swait.ge [sflag:s6], $0xC000  }
0x76: {  	[sflag:s6] =	ssyncset.done $0x0  }
0x77: {  	s16 =	sadd.s32 s0, s16;
	[sflag:s6] =	ssyncadd.s32 $0xFFFF4000  }
0x78: {  	[hbm4b:s16+s2] =	stream.linear.scatter [tilespmem:s5], [sflag:$0x2], $0xC000, $0x38;
	[tilespmem:$0xC400] =	vst v63  }
0x79: {  	s18 =	sor.u32 $0x2400, s1;
	_ =	swait.ge [sflag:s3], $0xC000  }
0x7a: {  	s17 =	sshrl.u32 s18, $0x3;
	[sflag:s3] =	ssyncset.done $0x0  }
0x7b: {  	s17 =	sadd.s32 s30, s17;
	[sflag:s3] =	ssyncadd.s32 $0xFFFF4000  }
0x7c: {  	[tilespmem:s2], [sflag:$0x2] =	stream.linear.gather [hbm4b:s17+s2], $0x400, $0x38;
	[tilespmem:$0xC400] =	vst v63  }
0x7d: {  	_ =	swait.ge [sflag:s3], $0x400  }
0x7e: {  	[sflag:s3] =	ssyncset.done $0x0  }
0x7f: {  	[sflag:s3] =	ssyncadd.s32 $0xFFFFFC00  }
0x80: {  	[tilespmem:s5], [sflag:$0x1] =	stream.indirect.gather [hbm4b:s4+s5], $0x30, s2, s5, $0xb8;
	[tilespmem:$0xC400] =	vst v63  }
0x81: {  	s18 =	smul.u32 $0x6, s18;
	_ =	swait.ge [sflag:s6], $0xC000  }
0x82: {  	[sflag:s6] =	ssyncset.done $0x0  }
0x83: {  	s18 =	sadd.s32 s0, s18;
	[sflag:s6] =	ssyncadd.s32 $0xFFFF4000  }
0x84: {  	[hbm4b:s18+s2] =	stream.linear.scatter [tilespmem:s5], [sflag:$0x2], $0xC000, $0x38;
	[tilespmem:$0xC400] =	vst v63  }
0x85: {  	s20 =	sor.u32 $0x2800, s1;
	_ =	swait.ge [sflag:s3], $0xC000  }
0x86: {  	s19 =	sshrl.u32 s20, $0x3;
	[sflag:s3] =	ssyncset.done $0x0  }
0x87: {  	s19 =	sadd.s32 s30, s19;
	[sflag:s3] =	ssyncadd.s32 $0xFFFF4000  }
0x88: {  	[tilespmem:s2], [sflag:$0x2] =	stream.linear.gather [hbm4b:s19+s2], $0x400, $0x38;
	[tilespmem:$0xC400] =	vst v63  }
0x89: {  	_ =	swait.ge [sflag:s3], $0x400  }
0x8a: {  	[sflag:s3] =	ssyncset.done $0x0  }
0x8b: {  	[sflag:s3] =	ssyncadd.s32 $0xFFFFFC00  }
0x8c: {  	[tilespmem:s5], [sflag:$0x1] =	stream.indirect.gather [hbm4b:s4+s5], $0x30, s2, s5, $0xb8;
	[tilespmem:$0xC400] =	vst v63  }
0x8d: {  	s20 =	smul.u32 $0x6, s20;
	_ =	swait.ge [sflag:s6], $0xC000  }
0x8e: {  	[sflag:s6] =	ssyncset.done $0x0  }
0x8f: {  	s20 =	sadd.s32 s0, s20;
	[sflag:s6] =	ssyncadd.s32 $0xFFFF4000  }
0x90: {  	[hbm4b:s20+s2] =	stream.linear.scatter [tilespmem:s5], [sflag:$0x2], $0xC000, $0x38;
	[tilespmem:$0xC400] =	vst v63  }
0x91: {  	s22 =	sor.u32 $0x2C00, s1;
	_ =	swait.ge [sflag:s3], $0xC000  }
0x92: {  	s21 =	sshrl.u32 s22, $0x3;
	[sflag:s3] =	ssyncset.done $0x0  }
0x93: {  	s21 =	sadd.s32 s30, s21;
	[sflag:s3] =	ssyncadd.s32 $0xFFFF4000  }
0x94: {  	[tilespmem:s2], [sflag:$0x2] =	stream.linear.gather [hbm4b:s21+s2], $0x400, $0x38;
	[tilespmem:$0xC400] =	vst v63  }
0x95: {  	_ =	swait.ge [sflag:s3], $0x400  }
0x96: {  	[sflag:s3] =	ssyncset.done $0x0  }
0x97: {  	[sflag:s3] =	ssyncadd.s32 $0xFFFFFC00  }
0x98: {  	[tilespmem:s5], [sflag:$0x1] =	stream.indirect.gather [hbm4b:s4+s5], $0x30, s2, s5, $0xb8;
	[tilespmem:$0xC400] =	vst v63  }
0x99: {  	s22 =	smul.u32 $0x6, s22;
	_ =	swait.ge [sflag:s6], $0xC000  }
0x9a: {  	[sflag:s6] =	ssyncset.done $0x0  }
0x9b: {  	s22 =	sadd.s32 s0, s22;
	[sflag:s6] =	ssyncadd.s32 $0xFFFF4000  }
0x9c: {  	[hbm4b:s22+s2] =	stream.linear.scatter [tilespmem:s5], [sflag:$0x2], $0xC000, $0x38;
	[tilespmem:$0xC400] =	vst v63  }
0x9d: {  	s24 =	sor.u32 $0x3000, s1;
	_ =	swait.ge [sflag:s3], $0xC000  }
0x9e: {  	s23 =	sshrl.u32 s24, $0x3;
	[sflag:s3] =	ssyncset.done $0x0  }
0x9f: {  	s23 =	sadd.s32 s30, s23;
	[sflag:s3] =	ssyncadd.s32 $0xFFFF4000  }
0xa0: {  	[tilespmem:s2], [sflag:$0x2] =	stream.linear.gather [hbm4b:s23+s2], $0x400, $0x38;
	[tilespmem:$0xC400] =	vst v63  }
0xa1: {  	_ =	swait.ge [sflag:s3], $0x400  }
0xa2: {  	[sflag:s3] =	ssyncset.done $0x0  }
0xa3: {  	[sflag:s3] =	ssyncadd.s32 $0xFFFFFC00  }
0xa4: {  	[tilespmem:s5], [sflag:$0x1] =	stream.indirect.gather [hbm4b:s4+s5], $0x30, s2, s5, $0xb8;
	[tilespmem:$0xC400] =	vst v63  }
0xa5: {  	s24 =	smul.u32 $0x6, s24;
	_ =	swait.ge [sflag:s6], $0xC000  }
0xa6: {  	[sflag:s6] =	ssyncset.done $0x0  }
0xa7: {  	s24 =	sadd.s32 s0, s24;
	[sflag:s6] =	ssyncadd.s32 $0xFFFF4000  }
0xa8: {  	[hbm4b:s24+s2] =	stream.linear.scatter [tilespmem:s5], [sflag:$0x2], $0xC000, $0x38;
	[tilespmem:$0xC400] =	vst v63  }
0xa9: {  	s26 =	sor.u32 $0x3400, s1;
	_ =	swait.ge [sflag:s3], $0xC000  }
0xaa: {  	s25 =	sshrl.u32 s26, $0x3;
	[sflag:s3] =	ssyncset.done $0x0  }
0xab: {  	s25 =	sadd.s32 s30, s25;
	[sflag:s3] =	ssyncadd.s32 $0xFFFF4000  }
0xac: {  	[tilespmem:s2], [sflag:$0x2] =	stream.linear.gather [hbm4b:s25+s2], $0x400, $0x38;
	[tilespmem:$0xC400] =	vst v63  }
0xad: {  	_ =	swait.ge [sflag:s3], $0x400  }
0xae: {  	[sflag:s3] =	ssyncset.done $0x0  }
0xaf: {  	[sflag:s3] =	ssyncadd.s32 $0xFFFFFC00  }
0xb0: {  	[tilespmem:s5], [sflag:$0x1] =	stream.indirect.gather [hbm4b:s4+s5], $0x30, s2, s5, $0xb8;
	[tilespmem:$0xC400] =	vst v63  }
0xb1: {  	s26 =	smul.u32 $0x6, s26;
	_ =	swait.ge [sflag:s6], $0xC000  }
0xb2: {  	[sflag:s6] =	ssyncset.done $0x0  }
0xb3: {  	s26 =	sadd.s32 s0, s26;
	[dreg:$0xb] =	wrdreg s0;
	[sflag:s6] =	ssyncadd.s32 $0xFFFF4000  }
0xb4: {  	[hbm4b:s26+s2] =	stream.linear.scatter [tilespmem:s5], [sflag:$0x2], $0xC000, $0x38;
	[tilespmem:$0xC400] =	vst v63  }
0xb5: {  	s29 =	sor.u32 $0x3800, s1;
	_ =	swait.ge [sflag:s3], $0xC000  }
0xb6: {  	s28 =	sshrl.u32 s29, $0x3;
	[sflag:s3] =	ssyncset.done $0x0  }
0xb7: {  	s28 =	sadd.s32 s30, s28;
	[sflag:s3] =	ssyncadd.s32 $0xFFFF4000  }
0xb8: {  	[tilespmem:s2], [sflag:$0x2] =	stream.linear.gather [hbm4b:s28+s2], $0x400, $0x38;
	[tilespmem:$0xC400] =	vst v63  }
0xb9: {  	_ =	swait.ge [sflag:s3], $0x400  }
0xba: {  	[sflag:s3] =	ssyncset.done $0x0  }
0xbb: {  	[sflag:s3] =	ssyncadd.s32 $0xFFFFFC00  }
0xbc: {  	[tilespmem:s5], [sflag:$0x1] =	stream.indirect.gather [hbm4b:s4+s5], $0x30, s2, s5, $0xb8;
	[tilespmem:$0xC400] =	vst v63  }
0xbd: {  	s29 =	smul.u32 $0x6, s29;
	_ =	swait.ge [sflag:s6], $0xC000  }
0xbe: {  	[sflag:s6] =	ssyncset.done $0x0  }
0xbf: {  	s29 =	sadd.s32 s0, s29;
	s1 =	sor.u32 $0x3C00, s1;
	[sflag:s6] =	ssyncadd.s32 $0xFFFF4000  }
0xc0: {  	[hbm4b:s29+s2] =	stream.linear.scatter [tilespmem:s5], [sflag:$0x2], $0xC000, $0x38;
	[tilespmem:$0xC400] =	vst v63  }
0xc1: {  	s0 =	sshrl.u32 s1, $0x3;
	_ =	swait.ge [sflag:s3], $0xC000  }
0xc2: {  	s30 =	sadd.s32 s30, s0;
	s0 =	ssub.s32 $0x2, s31;
	[sflag:s3] =	ssyncset.done $0x0  }
0xc3: {  	s31 =	sshrl.u32 s0, $0x1;
	[sflag:s3] =	ssyncadd.s32 $0xFFFF4000  }
0xc4: {  	[tilespmem:s2], [sflag:$0x2] =	stream.linear.gather [hbm4b:s30+s2], $0x400, $0x38;
	[tilespmem:$0xC400] =	vst v63  }
0xc5: {  	s0 =	ssub.s32 s0, s31;
	_ =	swait.ge [sflag:s3], $0x400  }
0xc6: {  	s0 =	smax.u32 s0, $0x1;
	[sflag:s3] =	ssyncset.done $0x0  }
0xc7: {  	s1 =	smul.u32 $0x6, s1;
	p0 =	sne.s32 s0, $0x1;
	[sflag:s3] =	ssyncadd.s32 $0xFFFFFC00  }
0xc8: {  	[tilespmem:s5], [sflag:$0x1] =	stream.indirect.gather [hbm4b:s4+s5], $0x30, s2, s5, $0xb8;
	[tilespmem:$0xC400] =	vst v63  }
.Ltmp0:
0xc9: {  	_ =	swait.ge [sflag:s6], $0xC000;
	(pc) =	sbr.rel @!p0 .LBB2_2-.Ltmp0, $4  }
0xca: {  	[sflag:s6] =	ssyncset.done $0x0;
	s31 =	rddreg [dreg:$0xb]  }
0xcb: {  	s31 =	sadd.s32 s31, s1;
	[sflag:s6] =	ssyncadd.s32 $0xFFFF4000  }
0xcc: {  	[hbm4b:s31+s2] =	stream.linear.scatter [tilespmem:s5], [sflag:$0x2], $0xC000, $0x38;
	[tilespmem:$0xC400] =	vst v63  }
0xcd: {  	s0 =	sadd.s32 $0xFFFFFFFF, s0;
	_ =	swait.ge [sflag:s3], $0xC000  }
.LBB2_1:
0xce: {  	[sflag:s3] =	ssyncset.done $0x0  }
0xcf: {  	s1 =	rddreg [dreg:$0x3];
	[sflag:s3] =	ssyncadd.s32 $0xFFFF4000  }
0xd0: {  	[tilespmem:s2], [sflag:$0x2] =	stream.linear.gather [hbm4b:s1+s2], $0x400, $0x38;
	[tilespmem:$0xC400] =	vst v63  }
0xd1: {  	_ =	swait.ge [sflag:s3], $0x400  }
0xd2: {  	[sflag:s3] =	ssyncset.done $0x0  }
0xd3: {  	[sflag:s3] =	ssyncadd.s32 $0xFFFFFC00  }
0xd4: {  	[tilespmem:s5], [sflag:$0x1] =	stream.indirect.gather [hbm4b:s4+s5], $0x30, s2, s5, $0xb8;
	[tilespmem:$0xC400] =	vst v63  }
0xd5: {  	_ =	swait.ge [sflag:s6], $0xC000  }
0xd6: {  	[sflag:s6] =	ssyncset.done $0x0  }
0xd7: {  	s1 =	rddreg [dreg:$0x4];
	[sflag:s6] =	ssyncadd.s32 $0xFFFF4000  }
0xd8: {  	[hbm4b:s1+s2] =	stream.linear.scatter [tilespmem:s5], [sflag:$0x2], $0xC000, $0x38;
	[tilespmem:$0xC400] =	vst v63  }
0xd9: {  	_ =	swait.ge [sflag:s3], $0xC000  }
0xda: {  	[sflag:s3] =	ssyncset.done $0x0  }
0xdb: {  	s1 =	rddreg [dreg:$0x5];
	[sflag:s3] =	ssyncadd.s32 $0xFFFF4000  }
0xdc: {  	[tilespmem:s2], [sflag:$0x2] =	stream.linear.gather [hbm4b:s1+s2], $0x400, $0x38;
	[tilespmem:$0xC400] =	vst v63  }
0xdd: {  	_ =	swait.ge [sflag:s3], $0x400  }
0xde: {  	[sflag:s3] =	ssyncset.done $0x0  }
0xdf: {  	[sflag:s3] =	ssyncadd.s32 $0xFFFFFC00  }
0xe0: {  	[tilespmem:s5], [sflag:$0x1] =	stream.indirect.gather [hbm4b:s4+s5], $0x30, s2, s5, $0xb8;
	[tilespmem:$0xC400] =	vst v63  }
0xe1: {  	_ =	swait.ge [sflag:s6], $0xC000  }
0xe2: {  	[sflag:s6] =	ssyncset.done $0x0  }
0xe3: {  	s1 =	rddreg [dreg:$0x6];
	[sflag:s6] =	ssyncadd.s32 $0xFFFF4000  }
0xe4: {  	[hbm4b:s1+s2] =	stream.linear.scatter [tilespmem:s5], [sflag:$0x2], $0xC000, $0x38;
	[tilespmem:$0xC400] =	vst v63  }
0xe5: {  	_ =	swait.ge [sflag:s3], $0xC000  }
0xe6: {  	[sflag:s3] =	ssyncset.done $0x0  }
0xe7: {  	s1 =	rddreg [dreg:$0x7];
	[sflag:s3] =	ssyncadd.s32 $0xFFFF4000  }
0xe8: {  	[tilespmem:s2], [sflag:$0x2] =	stream.linear.gather [hbm4b:s1+s2], $0x400, $0x38;
	[tilespmem:$0xC400] =	vst v63  }
0xe9: {  	_ =	swait.ge [sflag:s3], $0x400  }
0xea: {  	[sflag:s3] =	ssyncset.done $0x0  }
0xeb: {  	[sflag:s3] =	ssyncadd.s32 $0xFFFFFC00  }
0xec: {  	[tilespmem:s5], [sflag:$0x1] =	stream.indirect.gather [hbm4b:s4+s5], $0x30, s2, s5, $0xb8;
	[tilespmem:$0xC400] =	vst v63  }
0xed: {  	_ =	swait.ge [sflag:s6], $0xC000  }
0xee: {  	[sflag:s6] =	ssyncset.done $0x0  }
0xef: {  	s1 =	rddreg [dreg:$0x8];
	[sflag:s6] =	ssyncadd.s32 $0xFFFF4000  }
0xf0: {  	[hbm4b:s1+s2] =	stream.linear.scatter [tilespmem:s5], [sflag:$0x2], $0xC000, $0x38;
	[tilespmem:$0xC400] =	vst v63  }
0xf1: {  	_ =	swait.ge [sflag:s3], $0xC000  }
0xf2: {  	[sflag:s3] =	ssyncset.done $0x0  }
0xf3: {  	s1 =	rddreg [dreg:$0x9];
	[sflag:s3] =	ssyncadd.s32 $0xFFFF4000  }
0xf4: {  	[tilespmem:s2], [sflag:$0x2] =	stream.linear.gather [hbm4b:s1+s2], $0x400, $0x38;
	[tilespmem:$0xC400] =	vst v63  }
0xf5: {  	_ =	swait.ge [sflag:s3], $0x400  }
0xf6: {  	[sflag:s3] =	ssyncset.done $0x0  }
0xf7: {  	[sflag:s3] =	ssyncadd.s32 $0xFFFFFC00  }
0xf8: {  	[tilespmem:s5], [sflag:$0x1] =	stream.indirect.gather [hbm4b:s4+s5], $0x30, s2, s5, $0xb8;
	[tilespmem:$0xC400] =	vst v63  }
0xf9: {  	_ =	swait.ge [sflag:s6], $0xC000  }
0xfa: {  	[sflag:s6] =	ssyncset.done $0x0  }
0xfb: {  	s1 =	rddreg [dreg:$0xa];
	[sflag:s6] =	ssyncadd.s32 $0xFFFF4000  }
0xfc: {  	[hbm4b:s1+s2] =	stream.linear.scatter [tilespmem:s5], [sflag:$0x2], $0xC000, $0x38;
	[tilespmem:$0xC400] =	vst v63  }
0xfd: {  	_ =	swait.ge [sflag:s3], $0xC000  }
0xfe: {  	[sflag:s3] =	ssyncset.done $0x0  }
0xff: {  	[sflag:s3] =	ssyncadd.s32 $0xFFFF4000  }
0x100: {  	[tilespmem:s2], [sflag:$0x2] =	stream.linear.gather [hbm4b:s7+s2], $0x400, $0x38;
	[tilespmem:$0xC400] =	vst v63  }
0x101: {  	_ =	swait.ge [sflag:s3], $0x400  }
0x102: {  	[sflag:s3] =	ssyncset.done $0x0  }
0x103: {  	[sflag:s3] =	ssyncadd.s32 $0xFFFFFC00  }
0x104: {  	[tilespmem:s5], [sflag:$0x1] =	stream.indirect.gather [hbm4b:s4+s5], $0x30, s2, s5, $0xb8;
	[tilespmem:$0xC400] =	vst v63  }
0x105: {  	_ =	swait.ge [sflag:s6], $0xC000  }
0x106: {  	[sflag:s6] =	ssyncset.done $0x0  }
0x107: {  	[sflag:s6] =	ssyncadd.s32 $0xFFFF4000  }
0x108: {  	[hbm4b:s8+s2] =	stream.linear.scatter [tilespmem:s5], [sflag:$0x2], $0xC000, $0x38;
	[tilespmem:$0xC400] =	vst v63  }
0x109: {  	_ =	swait.ge [sflag:s3], $0xC000  }
0x10a: {  	[sflag:s3] =	ssyncset.done $0x0  }
0x10b: {  	[sflag:s3] =	ssyncadd.s32 $0xFFFF4000  }
0x10c: {  	[tilespmem:s2], [sflag:$0x2] =	stream.linear.gather [hbm4b:s9+s2], $0x400, $0x38;
	[tilespmem:$0xC400] =	vst v63  }
0x10d: {  	_ =	swait.ge [sflag:s3], $0x400  }
0x10e: {  	[sflag:s3] =	ssyncset.done $0x0  }
0x10f: {  	[sflag:s3] =	ssyncadd.s32 $0xFFFFFC00  }
0x110: {  	[tilespmem:s5], [sflag:$0x1] =	stream.indirect.gather [hbm4b:s4+s5], $0x30, s2, s5, $0xb8;
	[tilespmem:$0xC400] =	vst v63  }
0x111: {  	_ =	swait.ge [sflag:s6], $0xC000  }
0x112: {  	[sflag:s6] =	ssyncset.done $0x0  }
0x113: {  	[sflag:s6] =	ssyncadd.s32 $0xFFFF4000  }
0x114: {  	[hbm4b:s10+s2] =	stream.linear.scatter [tilespmem:s5], [sflag:$0x2], $0xC000, $0x38;
	[tilespmem:$0xC400] =	vst v63  }
0x115: {  	_ =	swait.ge [sflag:s3], $0xC000  }
0x116: {  	[sflag:s3] =	ssyncset.done $0x0  }
0x117: {  	[sflag:s3] =	ssyncadd.s32 $0xFFFF4000  }
0x118: {  	[tilespmem:s2], [sflag:$0x2] =	stream.linear.gather [hbm4b:s11+s2], $0x400, $0x38;
	[tilespmem:$0xC400] =	vst v63  }
0x119: {  	_ =	swait.ge [sflag:s3], $0x400  }
0x11a: {  	[sflag:s3] =	ssyncset.done $0x0  }
0x11b: {  	[sflag:s3] =	ssyncadd.s32 $0xFFFFFC00  }
0x11c: {  	[tilespmem:s5], [sflag:$0x1] =	stream.indirect.gather [hbm4b:s4+s5], $0x30, s2, s5, $0xb8;
	[tilespmem:$0xC400] =	vst v63  }
0x11d: {  	_ =	swait.ge [sflag:s6], $0xC000  }
0x11e: {  	[sflag:s6] =	ssyncset.done $0x0  }
0x11f: {  	[sflag:s6] =	ssyncadd.s32 $0xFFFF4000  }
0x120: {  	[hbm4b:s12+s2] =	stream.linear.scatter [tilespmem:s5], [sflag:$0x2], $0xC000, $0x38;
	[tilespmem:$0xC400] =	vst v63  }
0x121: {  	_ =	swait.ge [sflag:s3], $0xC000  }
0x122: {  	[sflag:s3] =	ssyncset.done $0x0  }
0x123: {  	[sflag:s3] =	ssyncadd.s32 $0xFFFF4000  }
0x124: {  	[tilespmem:s2], [sflag:$0x2] =	stream.linear.gather [hbm4b:s13+s2], $0x400, $0x38;
	[tilespmem:$0xC400] =	vst v63  }
0x125: {  	_ =	swait.ge [sflag:s3], $0x400  }
0x126: {  	[sflag:s3] =	ssyncset.done $0x0  }
0x127: {  	[sflag:s3] =	ssyncadd.s32 $0xFFFFFC00  }
0x128: {  	[tilespmem:s5], [sflag:$0x1] =	stream.indirect.gather [hbm4b:s4+s5], $0x30, s2, s5, $0xb8;
	[tilespmem:$0xC400] =	vst v63  }
0x129: {  	_ =	swait.ge [sflag:s6], $0xC000  }
0x12a: {  	[sflag:s6] =	ssyncset.done $0x0  }
0x12b: {  	[sflag:s6] =	ssyncadd.s32 $0xFFFF4000  }
0x12c: {  	[hbm4b:s14+s2] =	stream.linear.scatter [tilespmem:s5], [sflag:$0x2], $0xC000, $0x38;
	[tilespmem:$0xC400] =	vst v63  }
0x12d: {  	_ =	swait.ge [sflag:s3], $0xC000  }
0x12e: {  	[sflag:s3] =	ssyncset.done $0x0  }
0x12f: {  	[sflag:s3] =	ssyncadd.s32 $0xFFFF4000  }
0x130: {  	[tilespmem:s2], [sflag:$0x2] =	stream.linear.gather [hbm4b:s15+s2], $0x400, $0x38;
	[tilespmem:$0xC400] =	vst v63  }
0x131: {  	_ =	swait.ge [sflag:s3], $0x400  }
0x132: {  	[sflag:s3] =	ssyncset.done $0x0  }
0x133: {  	[sflag:s3] =	ssyncadd.s32 $0xFFFFFC00  }
0x134: {  	[tilespmem:s5], [sflag:$0x1] =	stream.indirect.gather [hbm4b:s4+s5], $0x30, s2, s5, $0xb8;
	[tilespmem:$0xC400] =	vst v63  }
0x135: {  	_ =	swait.ge [sflag:s6], $0xC000  }
0x136: {  	[sflag:s6] =	ssyncset.done $0x0  }
0x137: {  	[sflag:s6] =	ssyncadd.s32 $0xFFFF4000  }
0x138: {  	[hbm4b:s16+s2] =	stream.linear.scatter [tilespmem:s5], [sflag:$0x2], $0xC000, $0x38;
	[tilespmem:$0xC400] =	vst v63  }
0x139: {  	_ =	swait.ge [sflag:s3], $0xC000  }
0x13a: {  	[sflag:s3] =	ssyncset.done $0x0  }
0x13b: {  	[sflag:s3] =	ssyncadd.s32 $0xFFFF4000  }
0x13c: {  	[tilespmem:s2], [sflag:$0x2] =	stream.linear.gather [hbm4b:s17+s2], $0x400, $0x38;
	[tilespmem:$0xC400] =	vst v63  }
0x13d: {  	_ =	swait.ge [sflag:s3], $0x400  }
0x13e: {  	[sflag:s3] =	ssyncset.done $0x0  }
0x13f: {  	[sflag:s3] =	ssyncadd.s32 $0xFFFFFC00  }
0x140: {  	[tilespmem:s5], [sflag:$0x1] =	stream.indirect.gather [hbm4b:s4+s5], $0x30, s2, s5, $0xb8;
	[tilespmem:$0xC400] =	vst v63  }
0x141: {  	_ =	swait.ge [sflag:s6], $0xC000  }
0x142: {  	[sflag:s6] =	ssyncset.done $0x0  }
0x143: {  	[sflag:s6] =	ssyncadd.s32 $0xFFFF4000  }
0x144: {  	[hbm4b:s18+s2] =	stream.linear.scatter [tilespmem:s5], [sflag:$0x2], $0xC000, $0x38;
	[tilespmem:$0xC400] =	vst v63  }
0x145: {  	_ =	swait.ge [sflag:s3], $0xC000  }
0x146: {  	[sflag:s3] =	ssyncset.done $0x0  }
0x147: {  	[sflag:s3] =	ssyncadd.s32 $0xFFFF4000  }
0x148: {  	[tilespmem:s2], [sflag:$0x2] =	stream.linear.gather [hbm4b:s19+s2], $0x400, $0x38;
	[tilespmem:$0xC400] =	vst v63  }
0x149: {  	_ =	swait.ge [sflag:s3], $0x400  }
0x14a: {  	[sflag:s3] =	ssyncset.done $0x0  }
0x14b: {  	[sflag:s3] =	ssyncadd.s32 $0xFFFFFC00  }
0x14c: {  	[tilespmem:s5], [sflag:$0x1] =	stream.indirect.gather [hbm4b:s4+s5], $0x30, s2, s5, $0xb8;
	[tilespmem:$0xC400] =	vst v63  }
0x14d: {  	_ =	swait.ge [sflag:s6], $0xC000  }
0x14e: {  	[sflag:s6] =	ssyncset.done $0x0  }
0x14f: {  	[sflag:s6] =	ssyncadd.s32 $0xFFFF4000  }
0x150: {  	[hbm4b:s20+s2] =	stream.linear.scatter [tilespmem:s5], [sflag:$0x2], $0xC000, $0x38;
	[tilespmem:$0xC400] =	vst v63  }
0x151: {  	_ =	swait.ge [sflag:s3], $0xC000  }
0x152: {  	[sflag:s3] =	ssyncset.done $0x0  }
0x153: {  	[sflag:s3] =	ssyncadd.s32 $0xFFFF4000  }
0x154: {  	[tilespmem:s2], [sflag:$0x2] =	stream.linear.gather [hbm4b:s21+s2], $0x400, $0x38;
	[tilespmem:$0xC400] =	vst v63  }
0x155: {  	_ =	swait.ge [sflag:s3], $0x400  }
0x156: {  	[sflag:s3] =	ssyncset.done $0x0  }
0x157: {  	[sflag:s3] =	ssyncadd.s32 $0xFFFFFC00  }
0x158: {  	[tilespmem:s5], [sflag:$0x1] =	stream.indirect.gather [hbm4b:s4+s5], $0x30, s2, s5, $0xb8;
	[tilespmem:$0xC400] =	vst v63  }
0x159: {  	_ =	swait.ge [sflag:s6], $0xC000  }
0x15a: {  	[sflag:s6] =	ssyncset.done $0x0  }
0x15b: {  	[sflag:s6] =	ssyncadd.s32 $0xFFFF4000  }
0x15c: {  	[hbm4b:s22+s2] =	stream.linear.scatter [tilespmem:s5], [sflag:$0x2], $0xC000, $0x38;
	[tilespmem:$0xC400] =	vst v63  }
0x15d: {  	_ =	swait.ge [sflag:s3], $0xC000  }
0x15e: {  	[sflag:s3] =	ssyncset.done $0x0  }
0x15f: {  	[sflag:s3] =	ssyncadd.s32 $0xFFFF4000  }
0x160: {  	[tilespmem:s2], [sflag:$0x2] =	stream.linear.gather [hbm4b:s23+s2], $0x400, $0x38;
	[tilespmem:$0xC400] =	vst v63  }
0x161: {  	_ =	swait.ge [sflag:s3], $0x400  }
0x162: {  	[sflag:s3] =	ssyncset.done $0x0  }
0x163: {  	[sflag:s3] =	ssyncadd.s32 $0xFFFFFC00  }
0x164: {  	[tilespmem:s5], [sflag:$0x1] =	stream.indirect.gather [hbm4b:s4+s5], $0x30, s2, s5, $0xb8;
	[tilespmem:$0xC400] =	vst v63  }
0x165: {  	_ =	swait.ge [sflag:s6], $0xC000  }
0x166: {  	[sflag:s6] =	ssyncset.done $0x0  }
0x167: {  	[sflag:s6] =	ssyncadd.s32 $0xFFFF4000  }
0x168: {  	[hbm4b:s24+s2] =	stream.linear.scatter [tilespmem:s5], [sflag:$0x2], $0xC000, $0x38;
	[tilespmem:$0xC400] =	vst v63  }
0x169: {  	_ =	swait.ge [sflag:s3], $0xC000  }
0x16a: {  	[sflag:s3] =	ssyncset.done $0x0  }
0x16b: {  	[sflag:s3] =	ssyncadd.s32 $0xFFFF4000  }
0x16c: {  	[tilespmem:s2], [sflag:$0x2] =	stream.linear.gather [hbm4b:s25+s2], $0x400, $0x38;
	[tilespmem:$0xC400] =	vst v63  }
0x16d: {  	_ =	swait.ge [sflag:s3], $0x400  }
0x16e: {  	[sflag:s3] =	ssyncset.done $0x0  }
0x16f: {  	[sflag:s3] =	ssyncadd.s32 $0xFFFFFC00  }
0x170: {  	[tilespmem:s5], [sflag:$0x1] =	stream.indirect.gather [hbm4b:s4+s5], $0x30, s2, s5, $0xb8;
	[tilespmem:$0xC400] =	vst v63  }
0x171: {  	_ =	swait.ge [sflag:s6], $0xC000  }
0x172: {  	[sflag:s6] =	ssyncset.done $0x0  }
0x173: {  	[sflag:s6] =	ssyncadd.s32 $0xFFFF4000  }
0x174: {  	[hbm4b:s26+s2] =	stream.linear.scatter [tilespmem:s5], [sflag:$0x2], $0xC000, $0x38;
	[tilespmem:$0xC400] =	vst v63  }
0x175: {  	_ =	swait.ge [sflag:s3], $0xC000  }
0x176: {  	[sflag:s3] =	ssyncset.done $0x0  }
0x177: {  	[sflag:s3] =	ssyncadd.s32 $0xFFFF4000  }
0x178: {  	[tilespmem:s2], [sflag:$0x2] =	stream.linear.gather [hbm4b:s28+s2], $0x400, $0x38;
	[tilespmem:$0xC400] =	vst v63  }
0x179: {  	_ =	swait.ge [sflag:s3], $0x400  }
0x17a: {  	[sflag:s3] =	ssyncset.done $0x0  }
0x17b: {  	[sflag:s3] =	ssyncadd.s32 $0xFFFFFC00  }
0x17c: {  	[tilespmem:s5], [sflag:$0x1] =	stream.indirect.gather [hbm4b:s4+s5], $0x30, s2, s5, $0xb8;
	[tilespmem:$0xC400] =	vst v63  }
0x17d: {  	_ =	swait.ge [sflag:s6], $0xC000  }
0x17e: {  	[sflag:s6] =	ssyncset.done $0x0  }
0x17f: {  	[sflag:s6] =	ssyncadd.s32 $0xFFFF4000  }
0x180: {  	[hbm4b:s29+s2] =	stream.linear.scatter [tilespmem:s5], [sflag:$0x2], $0xC000, $0x38;
	[tilespmem:$0xC400] =	vst v63  }
0x181: {  	_ =	swait.ge [sflag:s3], $0xC000  }
0x182: {  	[sflag:s3] =	ssyncset.done $0x0  }
0x183: {  	[sflag:s3] =	ssyncadd.s32 $0xFFFF4000  }
0x184: {  	[tilespmem:s2], [sflag:$0x2] =	stream.linear.gather [hbm4b:s30+s2], $0x400, $0x38;
	[tilespmem:$0xC400] =	vst v63  }
0x185: {  	_ =	swait.ge [sflag:s3], $0x400  }
0x186: {  	[sflag:s3] =	ssyncset.done $0x0  }
0x187: {  	p0 =	sne.s32 s0, $0x1;
	[sflag:s3] =	ssyncadd.s32 $0xFFFFFC00  }
0x188: {  	[tilespmem:s5], [sflag:$0x1] =	stream.indirect.gather [hbm4b:s4+s5], $0x30, s2, s5, $0xb8;
	[tilespmem:$0xC400] =	vst v63  }
.Ltmp1:
0x189: {  	_ =	swait.ge [sflag:s6], $0xC000;
	(pc) =	sbr.rel @p0 .LBB2_1-.Ltmp1, $4  }
0x18a: {  	[sflag:s6] =	ssyncset.done $0x0  }
0x18b: {  	[sflag:s6] =	ssyncadd.s32 $0xFFFF4000  }
0x18c: {  	[hbm4b:s31+s2] =	stream.linear.scatter [tilespmem:s5], [sflag:$0x2], $0xC000, $0x38;
	[tilespmem:$0xC400] =	vst v63  }
0x18d: {  	s0 =	sadd.s32 $0xFFFFFFFF, s0;
	_ =	swait.ge [sflag:s3], $0xC000  }
.LBB2_2:
0x18e: {  	[sflag:s3] =	ssyncset.done $0x0  }
0x18f: {  	[sflag:s3] =	ssyncadd.s32 $0xFFFF4000  }
0x190: {  	_ =	sfence.sel $0x180000  }
0x191: {  	[bflag:$0x0] =	sbarrier.arrive $0xFFFF  }
0x192: {  	_ =	strace $0x90000047  }
0x193: {  	s0 =	stileid.u32;
	[bflag:$0x2] =	sbarrier.arrive $0xFFFF  }
0x194: {  	p0 =	sne.s32 s0, $0x0;
	s0 =	rddreg [dreg:$0x2]  }
0x195: {  	s0 =	sadd.s32 @!p0 $0x100000, s0  }
0x196: {  	[sflag:s0] =	ssyncadd.tile.s32 @!p0 $0x1;
	_ =	shalt  }
.Lfunc_end2:
_tile_overlayer_lowered:
.L_overlay_start_2:
0x197: {  	(tag) =	ssettag $0x2  }
0x198: {  	s0 =	rddreg [dreg:$0x0];
	s2 =	stileid.u32  }
0x199: {  	s1 =	rddreg [dreg:$0x1];
	p0 =	sne.s32 s2, $0x0  }
0x19a: {  	s3 =	rddreg [dreg:$0x2];
	[bflag:$0x3] =	sbarrier.arrive $0xFFFF;
	s2 =	simm.s32 @!p0 $0x1C02  }
0x19b: {  	[timem:s3], [sflag:s2] =	dma.local @!p0 [hbm:s0], s1  }
0x19c: {  	s0 =	simm.s32 @!p0 $0x2  }
0x19d: {  	_ =	swait.ge @!p0 [sflag:s0], s1  }
0x19e: {  	s1 =	ssub.s32 @!p0 $0x0, s1;
	[sflag:s0] =	ssyncset.done @!p0 $0x0  }
0x19f: {  	[sflag:s0] =	ssyncadd.s32 @!p0 s1  }
0x1a0: {  	[bflag:$0x3] =	sbarrier.arrive $0xFFFF  }
0x1a1: {  	_ =	shalt  }

</sc_bundles>
